<compile_context>
chip_gen: v7x
topology: tpu7x:2x2x1
jax: 0.10.2.dev20260603
libtpu: 0.0.44.dev20260713+nightly
codegen_flags: <defaults>
</compile_context>

<pallas_src>
import functools

import jax
import jax.numpy as jnp
from jax import lax
from jax.experimental import pallas as pl
from jax.experimental.pallas import tpu as pltpu
from jax.experimental.pallas import tpu_sc as plsc

N = 10000
E = 320000
D = 128

NC = 2
NS = 16
NW = NC * NS
CHUNK = 128
CPW = 80
EPW = CHUNK * CPW
E_PAD = NW * EPW
NP = 10240
RPT = NP // NS
GB = 64
IG = 16


def _deg_body(col_hbm, deg_hbm, deg_sh):
    cid = lax.axis_index("c")
    sid = lax.axis_index("s")
    wid = sid * NC + cid

    def scoped(col_vm, ones_vm, zer_vm):
        for i in range(CHUNK // 16):
            ones_vm[pl.ds(i * 16, 16)] = jnp.ones((16,), jnp.float32)
            zer_vm[pl.ds(i * 16, 16)] = jnp.zeros((16,), jnp.float32)

        for i in range(RPT // CHUNK):
            pltpu.sync_copy(zer_vm,
                            deg_sh.at[pl.ds(sid * RPT + i * CHUNK, CHUNK)])

        pltpu.sync_copy(col_hbm.at[wid], col_vm)
        plsc.subcore_barrier()

        def body(j, carry):
            pltpu.sync_copy(ones_vm, deg_sh.at[col_vm.at[j]], add=True)
            return carry

        lax.fori_loop(0, CPW, body, 0)
        plsc.subcore_barrier()
        pltpu.sync_copy(deg_sh.at[pl.ds(sid * RPT, RPT)],
                        deg_hbm.at[pl.ds(cid * NP + sid * RPT, RPT)])

    pl.run_scoped(
        scoped,
        pltpu.VMEM((CPW, CHUNK), jnp.int32),
        pltpu.VMEM((CHUNK,), jnp.float32),
        pltpu.VMEM((CHUNK,), jnp.float32),
    )


def _gather_scatter_body(y_hbm, row_hbm, col_hbm, zer_hbm, g_hbm, g_sh):
    cid = lax.axis_index("c")
    sid = lax.axis_index("s")
    wid = sid * NC + cid

    def scoped(row_vm, col_vm, gbuf, bufa, bufb, sema, semb):
        pltpu.sync_copy(zer_hbm.at[pl.ds(0, GB)], gbuf)

        def zbody(i, carry):
            pltpu.sync_copy(gbuf, g_sh.at[pl.ds(sid * RPT + i * GB, GB)])
            return carry

        lax.fori_loop(0, RPT // GB, zbody, 0)
        plsc.subcore_barrier()

        def group(gi, carry):
            pltpu.sync_copy(row_hbm.at[wid, pl.ds(gi * IG, IG)], row_vm)
            pltpu.sync_copy(col_hbm.at[wid, pl.ds(gi * IG, IG)], col_vm)

            def pair(p, ic):
                c0 = 2 * p
                cpa = pltpu.async_copy(y_hbm.at[row_vm.at[c0]], bufa, sema)
                cpb = pltpu.async_copy(y_hbm.at[row_vm.at[c0 + 1]], bufb,
                                       semb)
                cpa.wait()
                pltpu.sync_copy(bufa, g_sh.at[col_vm.at[c0]], add=True)
                cpb.wait()
                pltpu.sync_copy(bufb, g_sh.at[col_vm.at[c0 + 1]], add=True)
                return ic

            lax.fori_loop(0, IG // 2, pair, 0)
            return carry

        lax.fori_loop(0, CPW // IG, group, 0)
        plsc.subcore_barrier()

        def obody(i, carry):
            pltpu.sync_copy(g_sh.at[pl.ds(sid * RPT + i * GB, GB)], gbuf)
            pltpu.sync_copy(
                gbuf, g_hbm.at[pl.ds(cid * NP + sid * RPT + i * GB, GB)])
            return carry

        lax.fori_loop(0, RPT // GB, obody, 0)

    pl.run_scoped(
        scoped,
        pltpu.VMEM((IG, CHUNK), jnp.int32),
        pltpu.VMEM((IG, CHUNK), jnp.int32),
        pltpu.VMEM((GB, D), jnp.float32),
        pltpu.VMEM((CHUNK, D), jnp.float32),
        pltpu.VMEM((CHUNK, D), jnp.float32),
        pltpu.SemaphoreType.DMA,
        pltpu.SemaphoreType.DMA,
    )


def _y_body(x_ref, d0_ref, d1_ref, y_ref):
    deg = d0_ref[...] + d1_ref[...] + 1.0
    y_ref[...] = x_ref[...] * lax.rsqrt(deg)


def _out_body(x_ref, d0_ref, d1_ref, g0_ref, g1_ref, cw_ref, lw_ref,
              cb_ref, lb_ref, o_ref):
    deg = d0_ref[...] + d1_ref[...] + 1.0
    s = (g0_ref[...] + g1_ref[...]) * lax.rsqrt(deg) + x_ref[...] / deg
    w = jnp.dot(cw_ref[...], lw_ref[...], preferred_element_type=jnp.float32)
    b = jnp.dot(cb_ref[...], lw_ref[...], preferred_element_type=jnp.float32)
    o_ref[...] = jnp.dot(s, w, preferred_element_type=jnp.float32) + b + lb_ref[...]


@jax.jit
def kernel(x, edge_index, conv_W, conv_b, lin_W, lin_b):
    ppw = EPW - E // NW
    pad_r = jnp.zeros((NW, ppw), jnp.int32)
    pad_c = jnp.broadcast_to(N + jnp.arange(ppw, dtype=jnp.int32) % (NP - N),
                             (NW, ppw))
    row = jnp.concatenate([edge_index[0].reshape(NW, E // NW), pad_r],
                          axis=1).reshape(NW, CPW, CHUNK)
    col = jnp.concatenate([edge_index[1].reshape(NW, E // NW), pad_c],
                          axis=1).reshape(NW, CPW, CHUNK)
    x_pad = jnp.pad(x, ((0, NP - N), (0, 0)))
    zer = jnp.zeros((NP, D), jnp.float32)

    deg_kernel = pl.kernel(
        _deg_body,
        out_type=jax.ShapeDtypeStruct((NC * NP,), jnp.float32),
        mesh=plsc.VectorSubcoreMesh(core_axis_name="c", subcore_axis_name="s"),
        scratch_types=[
            pltpu.VMEM_SHARED((NP,), jnp.float32),
        ],
    )
    deg2 = deg_kernel(col)
    d0 = deg2[:NP].reshape(NP, 1)
    d1 = deg2[NP:].reshape(NP, 1)

    blk = 1024
    grid = NP // blk
    y = pl.pallas_call(
        _y_body,
        grid=(grid,),
        in_specs=[
            pl.BlockSpec((blk, D), lambda i: (i, 0)),
            pl.BlockSpec((blk, 1), lambda i: (i, 0)),
            pl.BlockSpec((blk, 1), lambda i: (i, 0)),
        ],
        out_specs=pl.BlockSpec((blk, D), lambda i: (i, 0)),
        out_shape=jax.ShapeDtypeStruct((NP, D), jnp.float32),
    )(x_pad, d0, d1)

    gs_kernel = pl.kernel(
        _gather_scatter_body,
        out_type=jax.ShapeDtypeStruct((NC * NP, D), jnp.float32),
        mesh=plsc.VectorSubcoreMesh(core_axis_name="c", subcore_axis_name="s"),
        scratch_types=[
            pltpu.VMEM_SHARED((NP, D), jnp.float32),
        ],
    )
    g2 = gs_kernel(y, row, col, zer)

    out = pl.pallas_call(
        _out_body,
        grid=(grid,),
        in_specs=[
            pl.BlockSpec((blk, D), lambda i: (i, 0)),
            pl.BlockSpec((blk, 1), lambda i: (i, 0)),
            pl.BlockSpec((blk, 1), lambda i: (i, 0)),
            pl.BlockSpec((blk, D), lambda i: (i, 0)),
            pl.BlockSpec((blk, D), lambda i: (i, 0)),
            pl.BlockSpec((D, D), lambda i: (0, 0)),
            pl.BlockSpec((D, D), lambda i: (0, 0)),
            pl.BlockSpec((1, D), lambda i: (0, 0)),
            pl.BlockSpec((1, D), lambda i: (0, 0)),
        ],
        out_specs=pl.BlockSpec((blk, D), lambda i: (i, 0)),
        out_shape=jax.ShapeDtypeStruct((NP, D), jnp.float32),
    )(x_pad, d0, d1, g2[:NP], g2[NP:], conv_W, lin_W,
      conv_b.reshape(1, D), lin_b.reshape(1, D))

    return out[:N]

# --- scband reference (transcript-rebuilt; emitter-appended) ---
"""Pipeline reference for scband-gcnprobe-18519898980624 (READ-ONLY COPY).

The authoritative reference and input builder live on the scoring server;
editing this copy changes nothing except your own understanding.
"""

import jax, jax.numpy as jnp
import numpy as np

N = 10000
E = 320000
D_IN = 128
D_OUT = 128


def setup_inputs(seed: int = 0) -> dict:
    key = jax.random.key(seed)
    k1, k2, k3, k4 = jax.random.split(key, 4)
    x = jax.random.normal(k1, (N, D_IN), dtype=jnp.float32)
    edge_index = jax.random.randint(k2, (2, E), 0, N, dtype=jnp.int32)
    conv_W = jax.random.normal(k3, (D_IN, D_IN), dtype=jnp.float32) * 0.05
    conv_b = jnp.zeros((D_IN,), dtype=jnp.float32)
    lin_W = jax.random.normal(k4, (D_IN, D_OUT), dtype=jnp.float32) * 0.05
    lin_b = jnp.zeros((D_OUT,), dtype=jnp.float32)
    return {"x": x, "edge_index": edge_index, "conv_W": conv_W, "conv_b": conv_b, "lin_W": lin_W, "lin_b": lin_b}


def reference(x, edge_index, conv_W, conv_b, lin_W, lin_b):
    # GCNConv with symmetric normalization and self-loops (PyG semantics)
    row = edge_index[0]
    col = edge_index[1]
    loop = jnp.arange(N, dtype=row.dtype)
    row = jnp.concatenate([row, loop])
    col = jnp.concatenate([col, loop])
    ew = jnp.ones(row.shape[0], dtype=x.dtype)
    deg = jax.ops.segment_sum(ew, col, num_segments=N)
    deg_inv_sqrt = jnp.where(deg > 0, deg ** -0.5, 0.0)
    norm = deg_inv_sqrt[row] * ew * deg_inv_sqrt[col]
    xw = x @ conv_W
    msg = xw[row] * norm[:, None]
    h = jax.ops.segment_sum(msg, col, num_segments=N) + conv_b
    # batch is None -> no global_mean_pool
    out = h @ lin_W + lin_b
    return out

if __name__ == "__main__":
    import jax
    _d = setup_inputs()
    print(jax.jit(kernel)(*tuple(_d.values())))

</pallas_src>

<mosaic_0001>
#map = affine_map<(d0, d1) -> (0, 0, 0)>
#map1 = affine_map<(d0, d1) -> (0)>
module attributes {stable_mosaic.version = 14 : i64} {
  func.func @_deg_body(%arg0: i32, %arg1: i32, %arg2: memref<32x80x128xi32, #tpu.memory_space<hbm>>, %arg3: memref<20480xf32, #tpu.memory_space<hbm>>, %arg4: memref<10240xf32, #tpu.memory_space<vmem_shared>>) attributes {dimension_semantics = [#tpu.dimension_semantics<core_parallel>, #tpu.dimension_semantics<subcore_parallel>], iteration_bounds = array<i64: 2, 16>, scalar_prefetch = 0 : i64, scratch_operands = 1 : i64, tpu.core_type = #tpu.core_type<sc_vector_subcore>, window_params = [{transform_indices = #map}, {transform_indices = #map1}]} {
    %mul3A = arith.constant 2 : i32
    %mul3A_0 = arith.muli %arg1, %mul3A : i32
    %add3A = arith.addi %mul3A_0, %arg0 : i32
    "tpu.region"() ({
      %run_scoped3A = memref.alloca() : memref<80x128xi32, #tpu.memory_space<vmem>>
      %run_scoped3A_1 = memref.alloca() : memref<128xf32, #tpu.memory_space<vmem>>
      %run_scoped3A_2 = memref.alloca() : memref<128xf32, #tpu.memory_space<vmem>>
      %broadcast_in_dim3A = arith.constant 1.000000e+00 : f32
      %broadcast_in_dim3A_3 = vector.broadcast %broadcast_in_dim3A : f32 to vector<16xf32>
      %swap3A = arith.constant 0 : index
      %swap3A_4 = tpu.vector_load %run_scoped3A_1[%swap3A] {strides = array<i32>} : memref<128xf32, #tpu.memory_space<vmem>>, vector<16xf32>,
      %swap3A_5 = vector.shape_cast %swap3A_4 : vector<16xf32> to vector<16xf32>
      %swap3A_6 = vector.shape_cast %broadcast_in_dim3A_3 : vector<16xf32> to vector<16xf32>
      tpu.vector_store %run_scoped3A_1[%swap3A], %swap3A_6 {strides = array<i32>} : memref<128xf32, #tpu.memory_space<vmem>>, vector<16xf32>,
      %broadcast_in_dim3A_7 = arith.constant 0.000000e+00 : f32
      %broadcast_in_dim3A_8 = vector.broadcast %broadcast_in_dim3A_7 : f32 to vector<16xf32>
      %swap3A_9 = arith.constant 0 : index
      %swap3A_10 = tpu.vector_load %run_scoped3A_2[%swap3A_9] {strides = array<i32>} : memref<128xf32, #tpu.memory_space<vmem>>, vector<16xf32>,
      %swap3A_11 = vector.shape_cast %swap3A_10 : vector<16xf32> to vector<16xf32>
      %swap3A_12 = vector.shape_cast %broadcast_in_dim3A_8 : vector<16xf32> to vector<16xf32>
      tpu.vector_store %run_scoped3A_2[%swap3A_9], %swap3A_12 {strides = array<i32>} : memref<128xf32, #tpu.memory_space<vmem>>, vector<16xf32>,
      %broadcast_in_dim3A_13 = arith.constant 1.000000e+00 : f32
      %broadcast_in_dim3A_14 = vector.broadcast %broadcast_in_dim3A_13 : f32 to vector<16xf32>
      %swap3A_15 = arith.constant 16 : index
      %swap3A_16 = tpu.vector_load %run_scoped3A_1[%swap3A_15] {strides = array<i32>} : memref<128xf32, #tpu.memory_space<vmem>>, vector<16xf32>,
      %swap3A_17 = vector.shape_cast %swap3A_16 : vector<16xf32> to vector<16xf32>
      %swap3A_18 = vector.shape_cast %broadcast_in_dim3A_14 : vector<16xf32> to vector<16xf32>
      tpu.vector_store %run_scoped3A_1[%swap3A_15], %swap3A_18 {strides = array<i32>} : memref<128xf32, #tpu.memory_space<vmem>>, vector<16xf32>,
      %broadcast_in_dim3A_19 = arith.constant 0.000000e+00 : f32
      %broadcast_in_dim3A_20 = vector.broadcast %broadcast_in_dim3A_19 : f32 to vector<16xf32>
      %swap3A_21 = arith.constant 16 : index
      %swap3A_22 = tpu.vector_load %run_scoped3A_2[%swap3A_21] {strides = array<i32>} : memref<128xf32, #tpu.memory_space<vmem>>, vector<16xf32>,
      %swap3A_23 = vector.shape_cast %swap3A_22 : vector<16xf32> to vector<16xf32>
      %swap3A_24 = vector.shape_cast %broadcast_in_dim3A_20 : vector<16xf32> to vector<16xf32>
      tpu.vector_store %run_scoped3A_2[%swap3A_21], %swap3A_24 {strides = array<i32>} : memref<128xf32, #tpu.memory_space<vmem>>, vector<16xf32>,
      %broadcast_in_dim3A_25 = arith.constant 1.000000e+00 : f32
      %broadcast_in_dim3A_26 = vector.broadcast %broadcast_in_dim3A_25 : f32 to vector<16xf32>
      %swap3A_27 = arith.constant 32 : index
      %swap3A_28 = tpu.vector_load %run_scoped3A_1[%swap3A_27] {strides = array<i32>} : memref<128xf32, #tpu.memory_space<vmem>>, vector<16xf32>,
      %swap3A_29 = vector.shape_cast %swap3A_28 : vector<16xf32> to vector<16xf32>
      %swap3A_30 = vector.shape_cast %broadcast_in_dim3A_26 : vector<16xf32> to vector<16xf32>
      tpu.vector_store %run_scoped3A_1[%swap3A_27], %swap3A_30 {strides = array<i32>} : memref<128xf32, #tpu.memory_space<vmem>>, vector<16xf32>,
      %broadcast_in_dim3A_31 = arith.constant 0.000000e+00 : f32
      %broadcast_in_dim3A_32 = vector.broadcast %broadcast_in_dim3A_31 : f32 to vector<16xf32>
      %swap3A_33 = arith.constant 32 : index
      %swap3A_34 = tpu.vector_load %run_scoped3A_2[%swap3A_33] {strides = array<i32>} : memref<128xf32, #tpu.memory_space<vmem>>, vector<16xf32>,
      %swap3A_35 = vector.shape_cast %swap3A_34 : vector<16xf32> to vector<16xf32>
      %swap3A_36 = vector.shape_cast %broadcast_in_dim3A_32 : vector<16xf32> to vector<16xf32>
      tpu.vector_store %run_scoped3A_2[%swap3A_33], %swap3A_36 {strides = array<i32>} : memref<128xf32, #tpu.memory_space<vmem>>, vector<16xf32>,
      %broadcast_in_dim3A_37 = arith.constant 1.000000e+00 : f32
      %broadcast_in_dim3A_38 = vector.broadcast %broadcast_in_dim3A_37 : f32 to vector<16xf32>
      %swap3A_39 = arith.constant 48 : index
      %swap3A_40 = tpu.vector_load %run_scoped3A_1[%swap3A_39] {strides = array<i32>} : memref<128xf32, #tpu.memory_space<vmem>>, vector<16xf32>,
      %swap3A_41 = vector.shape_cast %swap3A_40 : vector<16xf32> to vector<16xf32>
      %swap3A_42 = vector.shape_cast %broadcast_in_dim3A_38 : vector<16xf32> to vector<16xf32>
      tpu.vector_store %run_scoped3A_1[%swap3A_39], %swap3A_42 {strides = array<i32>} : memref<128xf32, #tpu.memory_space<vmem>>, vector<16xf32>,
      %broadcast_in_dim3A_43 = arith.constant 0.000000e+00 : f32
      %broadcast_in_dim3A_44 = vector.broadcast %broadcast_in_dim3A_43 : f32 to vector<16xf32>
      %swap3A_45 = arith.constant 48 : index
      %swap3A_46 = tpu.vector_load %run_scoped3A_2[%swap3A_45] {strides = array<i32>} : memref<128xf32, #tpu.memory_space<vmem>>, vector<16xf32>,
      %swap3A_47 = vector.shape_cast %swap3A_46 : vector<16xf32> to vector<16xf32>
      %swap3A_48 = vector.shape_cast %broadcast_in_dim3A_44 : vector<16xf32> to vector<16xf32>
      tpu.vector_store %run_scoped3A_2[%swap3A_45], %swap3A_48 {strides = array<i32>} : memref<128xf32, #tpu.memory_space<vmem>>, vector<16xf32>,
      %broadcast_in_dim3A_49 = arith.constant 1.000000e+00 : f32
      %broadcast_in_dim3A_50 = vector.broadcast %broadcast_in_dim3A_49 : f32 to vector<16xf32>
      %swap3A_51 = arith.constant 64 : index
      %swap3A_52 = tpu.vector_load %run_scoped3A_1[%swap3A_51] {strides = array<i32>} : memref<128xf32, #tpu.memory_space<vmem>>, vector<16xf32>,
      %swap3A_53 = vector.shape_cast %swap3A_52 : vector<16xf32> to vector<16xf32>
      %swap3A_54 = vector.shape_cast %broadcast_in_dim3A_50 : vector<16xf32> to vector<16xf32>
      tpu.vector_store %run_scoped3A_1[%swap3A_51], %swap3A_54 {strides = array<i32>} : memref<128xf32, #tpu.memory_space<vmem>>, vector<16xf32>,
      %broadcast_in_dim3A_55 = arith.constant 0.000000e+00 : f32
      %broadcast_in_dim3A_56 = vector.broadcast %broadcast_in_dim3A_55 : f32 to vector<16xf32>
      %swap3A_57 = arith.constant 64 : index
      %swap3A_58 = tpu.vector_load %run_scoped3A_2[%swap3A_57] {strides = array<i32>} : memref<128xf32, #tpu.memory_space<vmem>>, vector<16xf32>,
      %swap3A_59 = vector.shape_cast %swap3A_58 : vector<16xf32> to vector<16xf32>
      %swap3A_60 = vector.shape_cast %broadcast_in_dim3A_56 : vector<16xf32> to vector<16xf32>
      tpu.vector_store %run_scoped3A_2[%swap3A_57], %swap3A_60 {strides = array<i32>} : memref<128xf32, #tpu.memory_space<vmem>>, vector<16xf32>,
      %broadcast_in_dim3A_61 = arith.constant 1.000000e+00 : f32
      %broadcast_in_dim3A_62 = vector.broadcast %broadcast_in_dim3A_61 : f32 to vector<16xf32>
      %swap3A_63 = arith.constant 80 : index
      %swap3A_64 = tpu.vector_load %run_scoped3A_1[%swap3A_63] {strides = array<i32>} : memref<128xf32, #tpu.memory_space<vmem>>, vector<16xf32>,
      %swap3A_65 = vector.shape_cast %swap3A_64 : vector<16xf32> to vector<16xf32>
      %swap3A_66 = vector.shape_cast %broadcast_in_dim3A_62 : vector<16xf32> to vector<16xf32>
      tpu.vector_store %run_scoped3A_1[%swap3A_63], %swap3A_66 {strides = array<i32>} : memref<128xf32, #tpu.memory_space<vmem>>, vector<16xf32>,
      %broadcast_in_dim3A_67 = arith.constant 0.000000e+00 : f32
      %broadcast_in_dim3A_68 = vector.broadcast %broadcast_in_dim3A_67 : f32 to vector<16xf32>
      %swap3A_69 = arith.constant 80 : index
      %swap3A_70 = tpu.vector_load %run_scoped3A_2[%swap3A_69] {strides = array<i32>} : memref<128xf32, #tpu.memory_space<vmem>>, vector<16xf32>,
      %swap3A_71 = vector.shape_cast %swap3A_70 : vector<16xf32> to vector<16xf32>
      %swap3A_72 = vector.shape_cast %broadcast_in_dim3A_68 : vector<16xf32> to vector<16xf32>
      tpu.vector_store %run_scoped3A_2[%swap3A_69], %swap3A_72 {strides = array<i32>} : memref<128xf32, #tpu.memory_space<vmem>>, vector<16xf32>,
      %broadcast_in_dim3A_73 = arith.constant 1.000000e+00 : f32
      %broadcast_in_dim3A_74 = vector.broadcast %broadcast_in_dim3A_73 : f32 to vector<16xf32>
      %swap3A_75 = arith.constant 96 : index
      %swap3A_76 = tpu.vector_load %run_scoped3A_1[%swap3A_75] {strides = array<i32>} : memref<128xf32, #tpu.memory_space<vmem>>, vector<16xf32>,
      %swap3A_77 = vector.shape_cast %swap3A_76 : vector<16xf32> to vector<16xf32>
      %swap3A_78 = vector.shape_cast %broadcast_in_dim3A_74 : vector<16xf32> to vector<16xf32>
      tpu.vector_store %run_scoped3A_1[%swap3A_75], %swap3A_78 {strides = array<i32>} : memref<128xf32, #tpu.memory_space<vmem>>, vector<16xf32>,
      %broadcast_in_dim3A_79 = arith.constant 0.000000e+00 : f32
      %broadcast_in_dim3A_80 = vector.broadcast %broadcast_in_dim3A_79 : f32 to vector<16xf32>
      %swap3A_81 = arith.constant 96 : index
      %swap3A_82 = tpu.vector_load %run_scoped3A_2[%swap3A_81] {strides = array<i32>} : memref<128xf32, #tpu.memory_space<vmem>>, vector<16xf32>,
      %swap3A_83 = vector.shape_cast %swap3A_82 : vector<16xf32> to vector<16xf32>
      %swap3A_84 = vector.shape_cast %broadcast_in_dim3A_80 : vector<16xf32> to vector<16xf32>
      tpu.vector_store %run_scoped3A_2[%swap3A_81], %swap3A_84 {strides = array<i32>} : memref<128xf32, #tpu.memory_space<vmem>>, vector<16xf32>,
      %broadcast_in_dim3A_85 = arith.constant 1.000000e+00 : f32
      %broadcast_in_dim3A_86 = vector.broadcast %broadcast_in_dim3A_85 : f32 to vector<16xf32>
      %swap3A_87 = arith.constant 112 : index
      %swap3A_88 = tpu.vector_load %run_scoped3A_1[%swap3A_87] {strides = array<i32>} : memref<128xf32, #tpu.memory_space<vmem>>, vector<16xf32>,
      %swap3A_89 = vector.shape_cast %swap3A_88 : vector<16xf32> to vector<16xf32>
      %swap3A_90 = vector.shape_cast %broadcast_in_dim3A_86 : vector<16xf32> to vector<16xf32>
      tpu.vector_store %run_scoped3A_1[%swap3A_87], %swap3A_90 {strides = array<i32>} : memref<128xf32, #tpu.memory_space<vmem>>, vector<16xf32>,
      %broadcast_in_dim3A_91 = arith.constant 0.000000e+00 : f32
      %broadcast_in_dim3A_92 = vector.broadcast %broadcast_in_dim3A_91 : f32 to vector<16xf32>
      %swap3A_93 = arith.constant 112 : index
      %swap3A_94 = tpu.vector_load %run_scoped3A_2[%swap3A_93] {strides = array<i32>} : memref<128xf32, #tpu.memory_space<vmem>>, vector<16xf32>,
      %swap3A_95 = vector.shape_cast %swap3A_94 : vector<16xf32> to vector<16xf32>
      %swap3A_96 = vector.shape_cast %broadcast_in_dim3A_92 : vector<16xf32> to vector<16xf32>
      tpu.vector_store %run_scoped3A_2[%swap3A_93], %swap3A_96 {strides = array<i32>} : memref<128xf32, #tpu.memory_space<vmem>>, vector<16xf32>,
      %mul3A_97 = arith.constant 640 : i32
      %mul3A_98 = arith.muli %arg1, %mul3A_97 : i32
      %add3A_99 = arith.constant 0 : i32
      %add3A_100 = arith.addi %mul3A_98, %add3A_99 : i32
      "tpu.region"() ({
        %run_scoped3A_130 = tpu.sem_alloc : memref<!tpu.dma_semaphore, #tpu.memory_space<semaphore_mem>>
        %dma_start3A = tpu.memref_slice %arg4[%add3A_100] : memref<10240xf32, #tpu.memory_space<vmem_shared>> -> memref<128xf32, #tpu.memory_space<vmem_shared>>
        %dma_start3A_131 = tpu.memref_slice %arg4[%add3A_100] : memref<10240xf32, #tpu.memory_space<vmem_shared>> -> memref<128xf32, #tpu.memory_space<vmem_shared>>
        tpu.enqueue_dma source(%run_scoped3A_2 : memref<128xf32, #tpu.memory_space<vmem>>) target(%dma_start3A_131 : memref<128xf32, #tpu.memory_space<vmem_shared>>) target_semaphore(%run_scoped3A_130 : memref<!tpu.dma_semaphore, #tpu.memory_space<semaphore_mem>>)
        %dma_wait3A = tpu.memref_slice %arg4[%add3A_100] : memref<10240xf32, #tpu.memory_space<vmem_shared>> -> memref<128xf32, #tpu.memory_space<vmem_shared>>
        %dma_wait3A_132 = tpu.memref_slice %arg4[%add3A_100] : memref<10240xf32, #tpu.memory_space<vmem_shared>> -> memref<128xf32, #tpu.memory_space<vmem_shared>>
        tpu.wait_dma2 semaphore(%run_scoped3A_130 : memref<!tpu.dma_semaphore, #tpu.memory_space<semaphore_mem>>) src(%run_scoped3A_2 : memref<128xf32, #tpu.memory_space<vmem>>) dst(%dma_wait3A_132 : memref<128xf32, #tpu.memory_space<vmem_shared>>)
        tpu.yield
      }) : () -> ()
      %mul3A_101 = arith.constant 640 : i32
      %mul3A_102 = arith.muli %arg1, %mul3A_101 : i32
      %add3A_103 = arith.constant 128 : i32
      %add3A_104 = arith.addi %mul3A_102, %add3A_103 : i32
      "tpu.region"() ({
        %run_scoped3A_130 = tpu.sem_alloc : memref<!tpu.dma_semaphore, #tpu.memory_space<semaphore_mem>>
        %dma_start3A = tpu.memref_slice %arg4[%add3A_104] : memref<10240xf32, #tpu.memory_space<vmem_shared>> -> memref<128xf32, #tpu.memory_space<vmem_shared>>
        %dma_start3A_131 = tpu.memref_slice %arg4[%add3A_104] : memref<10240xf32, #tpu.memory_space<vmem_shared>> -> memref<128xf32, #tpu.memory_space<vmem_shared>>
        tpu.enqueue_dma source(%run_scoped3A_2 : memref<128xf32, #tpu.memory_space<vmem>>) target(%dma_start3A_131 : memref<128xf32, #tpu.memory_space<vmem_shared>>) target_semaphore(%run_scoped3A_130 : memref<!tpu.dma_semaphore, #tpu.memory_space<semaphore_mem>>)
        %dma_wait3A = tpu.memref_slice %arg4[%add3A_104] : memref<10240xf32, #tpu.memory_space<vmem_shared>> -> memref<128xf32, #tpu.memory_space<vmem_shared>>
        %dma_wait3A_132 = tpu.memref_slice %arg4[%add3A_104] : memref<10240xf32, #tpu.memory_space<vmem_shared>> -> memref<128xf32, #tpu.memory_space<vmem_shared>>
        tpu.wait_dma2 semaphore(%run_scoped3A_130 : memref<!tpu.dma_semaphore, #tpu.memory_space<semaphore_mem>>) src(%run_scoped3A_2 : memref<128xf32, #tpu.memory_space<vmem>>) dst(%dma_wait3A_132 : memref<128xf32, #tpu.memory_space<vmem_shared>>)
        tpu.yield
      }) : () -> ()
      %mul3A_105 = arith.constant 640 : i32
      %mul3A_106 = arith.muli %arg1, %mul3A_105 : i32
      %add3A_107 = arith.constant 256 : i32
      %add3A_108 = arith.addi %mul3A_106, %add3A_107 : i32
      "tpu.region"() ({
        %run_scoped3A_130 = tpu.sem_alloc : memref<!tpu.dma_semaphore, #tpu.memory_space<semaphore_mem>>
        %dma_start3A = tpu.memref_slice %arg4[%add3A_108] : memref<10240xf32, #tpu.memory_space<vmem_shared>> -> memref<128xf32, #tpu.memory_space<vmem_shared>>
        %dma_start3A_131 = tpu.memref_slice %arg4[%add3A_108] : memref<10240xf32, #tpu.memory_space<vmem_shared>> -> memref<128xf32, #tpu.memory_space<vmem_shared>>
        tpu.enqueue_dma source(%run_scoped3A_2 : memref<128xf32, #tpu.memory_space<vmem>>) target(%dma_start3A_131 : memref<128xf32, #tpu.memory_space<vmem_shared>>) target_semaphore(%run_scoped3A_130 : memref<!tpu.dma_semaphore, #tpu.memory_space<semaphore_mem>>)
        %dma_wait3A = tpu.memref_slice %arg4[%add3A_108] : memref<10240xf32, #tpu.memory_space<vmem_shared>> -> memref<128xf32, #tpu.memory_space<vmem_shared>>
        %dma_wait3A_132 = tpu.memref_slice %arg4[%add3A_108] : memref<10240xf32, #tpu.memory_space<vmem_shared>> -> memref<128xf32, #tpu.memory_space<vmem_shared>>
        tpu.wait_dma2 semaphore(%run_scoped3A_130 : memref<!tpu.dma_semaphore, #tpu.memory_space<semaphore_mem>>) src(%run_scoped3A_2 : memref<128xf32, #tpu.memory_space<vmem>>) dst(%dma_wait3A_132 : memref<128xf32, #tpu.memory_space<vmem_shared>>)
        tpu.yield
      }) : () -> ()
      %mul3A_109 = arith.constant 640 : i32
      %mul3A_110 = arith.muli %arg1, %mul3A_109 : i32
      %add3A_111 = arith.constant 384 : i32
      %add3A_112 = arith.addi %mul3A_110, %add3A_111 : i32
      "tpu.region"() ({
        %run_scoped3A_130 = tpu.sem_alloc : memref<!tpu.dma_semaphore, #tpu.memory_space<semaphore_mem>>
        %dma_start3A = tpu.memref_slice %arg4[%add3A_112] : memref<10240xf32, #tpu.memory_space<vmem_shared>> -> memref<128xf32, #tpu.memory_space<vmem_shared>>
        %dma_start3A_131 = tpu.memref_slice %arg4[%add3A_112] : memref<10240xf32, #tpu.memory_space<vmem_shared>> -> memref<128xf32, #tpu.memory_space<vmem_shared>>
        tpu.enqueue_dma source(%run_scoped3A_2 : memref<128xf32, #tpu.memory_space<vmem>>) target(%dma_start3A_131 : memref<128xf32, #tpu.memory_space<vmem_shared>>) target_semaphore(%run_scoped3A_130 : memref<!tpu.dma_semaphore, #tpu.memory_space<semaphore_mem>>)
        %dma_wait3A = tpu.memref_slice %arg4[%add3A_112] : memref<10240xf32, #tpu.memory_space<vmem_shared>> -> memref<128xf32, #tpu.memory_space<vmem_shared>>
        %dma_wait3A_132 = tpu.memref_slice %arg4[%add3A_112] : memref<10240xf32, #tpu.memory_space<vmem_shared>> -> memref<128xf32, #tpu.memory_space<vmem_shared>>
        tpu.wait_dma2 semaphore(%run_scoped3A_130 : memref<!tpu.dma_semaphore, #tpu.memory_space<semaphore_mem>>) src(%run_scoped3A_2 : memref<128xf32, #tpu.memory_space<vmem>>) dst(%dma_wait3A_132 : memref<128xf32, #tpu.memory_space<vmem_shared>>)
        tpu.yield
      }) : () -> ()
      %mul3A_113 = arith.constant 640 : i32
      %mul3A_114 = arith.muli %arg1, %mul3A_113 : i32
      %add3A_115 = arith.constant 512 : i32
      %add3A_116 = arith.addi %mul3A_114, %add3A_115 : i32
      "tpu.region"() ({
        %run_scoped3A_130 = tpu.sem_alloc : memref<!tpu.dma_semaphore, #tpu.memory_space<semaphore_mem>>
        %dma_start3A = tpu.memref_slice %arg4[%add3A_116] : memref<10240xf32, #tpu.memory_space<vmem_shared>> -> memref<128xf32, #tpu.memory_space<vmem_shared>>
        %dma_start3A_131 = tpu.memref_slice %arg4[%add3A_116] : memref<10240xf32, #tpu.memory_space<vmem_shared>> -> memref<128xf32, #tpu.memory_space<vmem_shared>>
        tpu.enqueue_dma source(%run_scoped3A_2 : memref<128xf32, #tpu.memory_space<vmem>>) target(%dma_start3A_131 : memref<128xf32, #tpu.memory_space<vmem_shared>>) target_semaphore(%run_scoped3A_130 : memref<!tpu.dma_semaphore, #tpu.memory_space<semaphore_mem>>)
        %dma_wait3A = tpu.memref_slice %arg4[%add3A_116] : memref<10240xf32, #tpu.memory_space<vmem_shared>> -> memref<128xf32, #tpu.memory_space<vmem_shared>>
        %dma_wait3A_132 = tpu.memref_slice %arg4[%add3A_116] : memref<10240xf32, #tpu.memory_space<vmem_shared>> -> memref<128xf32, #tpu.memory_space<vmem_shared>>
        tpu.wait_dma2 semaphore(%run_scoped3A_130 : memref<!tpu.dma_semaphore, #tpu.memory_space<semaphore_mem>>) src(%run_scoped3A_2 : memref<128xf32, #tpu.memory_space<vmem>>) dst(%dma_wait3A_132 : memref<128xf32, #tpu.memory_space<vmem_shared>>)
        tpu.yield
      }) : () -> ()
      "tpu.region"() ({
        %run_scoped3A_130 = tpu.sem_alloc : memref<!tpu.dma_semaphore, #tpu.memory_space<semaphore_mem>>
        %dma_start3A = arith.constant 0 : i32
        %dma_start3A_131 = arith.constant 0 : i32
        %dma_start3A_132 = tpu.memref_slice %arg2[%add3A, %dma_start3A, %dma_start3A_131] : memref<32x80x128xi32, #tpu.memory_space<hbm>> -> memref<1x80x128xi32, #tpu.memory_space<hbm>>
        %dma_start3A_133 = tpu.memref_squeeze %dma_start3A_132 : memref<1x80x128xi32, #tpu.memory_space<hbm>> -> memref<80x128xi32, #tpu.memory_space<hbm>>
        %dma_start3A_134 = arith.constant 0 : i32
        %dma_start3A_135 = arith.constant 0 : i32
        %dma_start3A_136 = tpu.memref_slice %arg2[%add3A, %dma_start3A_134, %dma_start3A_135] : memref<32x80x128xi32, #tpu.memory_space<hbm>> -> memref<1x80x128xi32, #tpu.memory_space<hbm>>
        %dma_start3A_137 = tpu.memref_squeeze %dma_start3A_136 : memref<1x80x128xi32, #tpu.memory_space<hbm>> -> memref<80x128xi32, #tpu.memory_space<hbm>>
        tpu.enqueue_dma source(%dma_start3A_137 : memref<80x128xi32, #tpu.memory_space<hbm>>) target(%run_scoped3A : memref<80x128xi32, #tpu.memory_space<vmem>>) target_semaphore(%run_scoped3A_130 : memref<!tpu.dma_semaphore, #tpu.memory_space<semaphore_mem>>)
        %dma_wait3A = arith.constant 0 : i32
        %dma_wait3A_138 = arith.constant 0 : i32
        %dma_wait3A_139 = tpu.memref_slice %arg2[%add3A, %dma_wait3A, %dma_wait3A_138] : memref<32x80x128xi32, #tpu.memory_space<hbm>> -> memref<1x80x128xi32, #tpu.memory_space<hbm>>
        %dma_wait3A_140 = tpu.memref_squeeze %dma_wait3A_139 : memref<1x80x128xi32, #tpu.memory_space<hbm>> -> memref<80x128xi32, #tpu.memory_space<hbm>>
        %dma_wait3A_141 = arith.constant 0 : i32
        %dma_wait3A_142 = arith.constant 0 : i32
        %dma_wait3A_143 = tpu.memref_slice %arg2[%add3A, %dma_wait3A_141, %dma_wait3A_142] : memref<32x80x128xi32, #tpu.memory_space<hbm>> -> memref<1x80x128xi32, #tpu.memory_space<hbm>>
        %dma_wait3A_144 = tpu.memref_squeeze %dma_wait3A_143 : memref<1x80x128xi32, #tpu.memory_space<hbm>> -> memref<80x128xi32, #tpu.memory_space<hbm>>
        tpu.wait_dma2 semaphore(%run_scoped3A_130 : memref<!tpu.dma_semaphore, #tpu.memory_space<semaphore_mem>>) src(%dma_wait3A_144 : memref<80x128xi32, #tpu.memory_space<hbm>>) dst(%run_scoped3A : memref<80x128xi32, #tpu.memory_space<vmem>>)
        tpu.yield
      }) : () -> ()
      %barrier3A = arith.constant 0 : index
      tpu.barrier barrier_id(%barrier3A)
      %scan3A = arith.constant 0 : i32
      %scan3A_117 = arith.constant 0 : i32
      %scan3A_118 = arith.constant 80 : i32
      %scan3A_119 = arith.addi %scan3A_117, %scan3A_118 : i32
      %scan3A_120 = arith.constant 1 : i32
      scf.for %scan3A_130 = %scan3A_117 to %scan3A_119 step %scan3A_120  : i32 {
        "tpu.region"() ({
          %run_scoped3A_131 = tpu.sem_alloc : memref<!tpu.dma_semaphore, #tpu.memory_space<semaphore_mem>>
          %dma_start3A = arith.constant 0 : i32
          %dma_start3A_132 = tpu.memref_slice %run_scoped3A[%scan3A_130, %dma_start3A] : memref<80x128xi32, #tpu.memory_space<vmem>> -> memref<1x128xi32, #tpu.memory_space<vmem>>
          %dma_start3A_133 = tpu.memref_squeeze %dma_start3A_132 : memref<1x128xi32, #tpu.memory_space<vmem>> -> memref<128xi32, #tpu.memory_space<vmem>>
          %dma_start3A_134 = arith.constant 0 : i32
          %dma_start3A_135 = tpu.memref_slice %arg4[%dma_start3A_134] : memref<10240xf32, #tpu.memory_space<vmem_shared>> -> memref<10240xf32, #tpu.memory_space<vmem_shared>>
          tpu.enqueue_indirect_dma source(%run_scoped3A_1 : memref<128xf32, #tpu.memory_space<vmem>>) target(%dma_start3A_135 : memref<10240xf32, #tpu.memory_space<vmem_shared>>) offsets(%dma_start3A_133 : memref<128xi32, #tpu.memory_space<vmem>>) semaphore(%run_scoped3A_131 : memref<!tpu.dma_semaphore, #tpu.memory_space<semaphore_mem>>) {add = true}
          %dma_wait3A = arith.constant 0 : i32
          %dma_wait3A_136 = tpu.memref_slice %run_scoped3A[%scan3A_130, %dma_wait3A] : memref<80x128xi32, #tpu.memory_space<vmem>> -> memref<1x128xi32, #tpu.memory_space<vmem>>
          %dma_wait3A_137 = tpu.memref_squeeze %dma_wait3A_136 : memref<1x128xi32, #tpu.memory_space<vmem>> -> memref<128xi32, #tpu.memory_space<vmem>>
          %dma_wait3A_138 = arith.constant 0 : i32
          %dma_wait3A_139 = tpu.memref_slice %arg4[%dma_wait3A_138] : memref<10240xf32, #tpu.memory_space<vmem_shared>> -> memref<10240xf32, #tpu.memory_space<vmem_shared>>
          tpu.wait_indirect_dma semaphore(%run_scoped3A_131 : memref<!tpu.dma_semaphore, #tpu.memory_space<semaphore_mem>>) src(%run_scoped3A_1 : memref<128xf32, #tpu.memory_space<vmem>>) dst(%dma_wait3A_139 : memref<10240xf32, #tpu.memory_space<vmem_shared>>)
          tpu.yield
        }) : () -> ()
      }
      %scan3A_121 = arith.constant 80 : i32
      %barrier3A_122 = arith.constant 0 : index
      tpu.barrier barrier_id(%barrier3A_122)
      %mul3A_123 = arith.constant 640 : i32
      %mul3A_124 = arith.muli %arg1, %mul3A_123 : i32
      %mul3A_125 = arith.constant 10240 : i32
      %mul3A_126 = arith.muli %arg0, %mul3A_125 : i32
      %mul3A_127 = arith.constant 640 : i32
      %mul3A_128 = arith.muli %arg1, %mul3A_127 : i32
      %add3A_129 = arith.addi %mul3A_126, %mul3A_128 : i32
      "tpu.region"() ({
        %run_scoped3A_130 = tpu.sem_alloc : memref<!tpu.dma_semaphore, #tpu.memory_space<semaphore_mem>>
        %dma_start3A = tpu.memref_slice %arg3[%add3A_129] : memref<20480xf32, #tpu.memory_space<hbm>> -> memref<640xf32, #tpu.memory_space<hbm>>
        %dma_start3A_131 = tpu.memref_slice %arg4[%mul3A_124] : memref<10240xf32, #tpu.memory_space<vmem_shared>> -> memref<640xf32, #tpu.memory_space<vmem_shared>>
        tpu.enqueue_dma source(%dma_start3A_131 : memref<640xf32, #tpu.memory_space<vmem_shared>>) target(%dma_start3A : memref<640xf32, #tpu.memory_space<hbm>>) target_semaphore(%run_scoped3A_130 : memref<!tpu.dma_semaphore, #tpu.memory_space<semaphore_mem>>)
        %dma_wait3A = tpu.memref_slice %arg3[%add3A_129] : memref<20480xf32, #tpu.memory_space<hbm>> -> memref<640xf32, #tpu.memory_space<hbm>>
        %dma_wait3A_132 = tpu.memref_slice %arg4[%mul3A_124] : memref<10240xf32, #tpu.memory_space<vmem_shared>> -> memref<640xf32, #tpu.memory_space<vmem_shared>>
        tpu.wait_dma2 semaphore(%run_scoped3A_130 : memref<!tpu.dma_semaphore, #tpu.memory_space<semaphore_mem>>) src(%dma_wait3A_132 : memref<640xf32, #tpu.memory_space<vmem_shared>>) dst(%dma_wait3A : memref<640xf32, #tpu.memory_space<hbm>>)
        tpu.yield
      }) : () -> ()
      tpu.yield
    }) : () -> ()
    return
  }
}

#map = affine_map<(d0, d1) -> (0, 0)>
#map1 = affine_map<(d0, d1) -> (0, 0, 0)>
module attributes {stable_mosaic.version = 14 : i64} {
  func.func @_gather_scatter_body(%arg0: i32, %arg1: i32, %arg2: memref<10240x128xf32, #tpu.memory_space<hbm>>, %arg3: memref<32x80x128xi32, #tpu.memory_space<hbm>>, %arg4: memref<32x80x128xi32, #tpu.memory_space<hbm>>, %arg5: memref<10240x128xf32, #tpu.memory_space<hbm>>, %arg6: memref<20480x128xf32, #tpu.memory_space<hbm>>, %arg7: memref<10240x128xf32, #tpu.memory_space<vmem_shared>>) attributes {dimension_semantics = [#tpu.dimension_semantics<core_parallel>, #tpu.dimension_semantics<subcore_parallel>], iteration_bounds = array<i64: 2, 16>, scalar_prefetch = 0 : i64, scratch_operands = 1 : i64, tpu.core_type = #tpu.core_type<sc_vector_subcore>, window_params = [{transform_indices = #map}, {transform_indices = #map1}, {transform_indices = #map1}, {transform_indices = #map}, {transform_indices = #map}]} {
    %mul3A = arith.constant 2 : i32
    %mul3A_0 = arith.muli %arg1, %mul3A : i32
    %add3A = arith.addi %mul3A_0, %arg0 : i32
    "tpu.region"() ({
      %run_scoped3A = memref.alloca() : memref<16x128xi32, #tpu.memory_space<vmem>>
      %run_scoped3A_1 = memref.alloca() : memref<16x128xi32, #tpu.memory_space<vmem>>
      %run_scoped3A_2 = memref.alloca() : memref<64x128xf32, #tpu.memory_space<vmem>>
      %run_scoped3A_3 = memref.alloca() : memref<128x128xf32, #tpu.memory_space<vmem>>
      %run_scoped3A_4 = memref.alloca() : memref<128x128xf32, #tpu.memory_space<vmem>>
      %run_scoped3A_5 = tpu.sem_alloc : memref<!tpu.dma_semaphore, #tpu.memory_space<semaphore_mem>>
      %run_scoped3A_6 = tpu.sem_alloc : memref<!tpu.dma_semaphore, #tpu.memory_space<semaphore_mem>>
      "tpu.region"() ({
        %run_scoped3A_25 = tpu.sem_alloc : memref<!tpu.dma_semaphore, #tpu.memory_space<semaphore_mem>>
        %dma_start3A = arith.constant 0 : i32
        %dma_start3A_26 = arith.constant 0 : i32
        %dma_start3A_27 = tpu.memref_slice %arg5[%dma_start3A, %dma_start3A_26] : memref<10240x128xf32, #tpu.memory_space<hbm>> -> memref<64x128xf32, #tpu.memory_space<hbm>>
        %dma_start3A_28 = arith.constant 0 : i32
        %dma_start3A_29 = arith.constant 0 : i32
        %dma_start3A_30 = tpu.memref_slice %arg5[%dma_start3A_28, %dma_start3A_29] : memref<10240x128xf32, #tpu.memory_space<hbm>> -> memref<64x128xf32, #tpu.memory_space<hbm>>
        tpu.enqueue_dma source(%dma_start3A_30 : memref<64x128xf32, #tpu.memory_space<hbm>>) target(%run_scoped3A_2 : memref<64x128xf32, #tpu.memory_space<vmem>>) target_semaphore(%run_scoped3A_25 : memref<!tpu.dma_semaphore, #tpu.memory_space<semaphore_mem>>)
        %dma_wait3A = arith.constant 0 : i32
        %dma_wait3A_31 = arith.constant 0 : i32
        %dma_wait3A_32 = tpu.memref_slice %arg5[%dma_wait3A, %dma_wait3A_31] : memref<10240x128xf32, #tpu.memory_space<hbm>> -> memref<64x128xf32, #tpu.memory_space<hbm>>
        %dma_wait3A_33 = arith.constant 0 : i32
        %dma_wait3A_34 = arith.constant 0 : i32
        %dma_wait3A_35 = tpu.memref_slice %arg5[%dma_wait3A_33, %dma_wait3A_34] : memref<10240x128xf32, #tpu.memory_space<hbm>> -> memref<64x128xf32, #tpu.memory_space<hbm>>
        tpu.wait_dma2 semaphore(%run_scoped3A_25 : memref<!tpu.dma_semaphore, #tpu.memory_space<semaphore_mem>>) src(%dma_wait3A_35 : memref<64x128xf32, #tpu.memory_space<hbm>>) dst(%run_scoped3A_2 : memref<64x128xf32, #tpu.memory_space<vmem>>)
        tpu.yield
      }) : () -> ()
      %scan3A = arith.constant 0 : i32
      %scan3A_7 = arith.constant 0 : i32
      %scan3A_8 = arith.constant 10 : i32
      %scan3A_9 = arith.addi %scan3A_7, %scan3A_8 : i32
      %scan3A_10 = arith.constant 1 : i32
      scf.for %scan3A_25 = %scan3A_7 to %scan3A_9 step %scan3A_10  : i32 {
        %mul3A_26 = arith.constant 640 : i32
        %mul3A_27 = arith.muli %arg1, %mul3A_26 : i32
        %mul3A_28 = arith.constant 64 : i32
        %mul3A_29 = arith.muli %scan3A_25, %mul3A_28 : i32
        %add3A_30 = arith.addi %mul3A_27, %mul3A_29 : i32
        "tpu.region"() ({
          %run_scoped3A_31 = tpu.sem_alloc : memref<!tpu.dma_semaphore, #tpu.memory_space<semaphore_mem>>
          %dma_start3A = arith.constant 0 : i32
          %dma_start3A_32 = tpu.memref_slice %arg7[%add3A_30, %dma_start3A] : memref<10240x128xf32, #tpu.memory_space<vmem_shared>> -> memref<64x128xf32, #tpu.memory_space<vmem_shared>>
          %dma_start3A_33 = arith.constant 0 : i32
          %dma_start3A_34 = tpu.memref_slice %arg7[%add3A_30, %dma_start3A_33] : memref<10240x128xf32, #tpu.memory_space<vmem_shared>> -> memref<64x128xf32, #tpu.memory_space<vmem_shared>>
          tpu.enqueue_dma source(%run_scoped3A_2 : memref<64x128xf32, #tpu.memory_space<vmem>>) target(%dma_start3A_34 : memref<64x128xf32, #tpu.memory_space<vmem_shared>>) target_semaphore(%run_scoped3A_31 : memref<!tpu.dma_semaphore, #tpu.memory_space<semaphore_mem>>)
          %dma_wait3A = arith.constant 0 : i32
          %dma_wait3A_35 = tpu.memref_slice %arg7[%add3A_30, %dma_wait3A] : memref<10240x128xf32, #tpu.memory_space<vmem_shared>> -> memref<64x128xf32, #tpu.memory_space<vmem_shared>>
          %dma_wait3A_36 = arith.constant 0 : i32
          %dma_wait3A_37 = tpu.memref_slice %arg7[%add3A_30, %dma_wait3A_36] : memref<10240x128xf32, #tpu.memory_space<vmem_shared>> -> memref<64x128xf32, #tpu.memory_space<vmem_shared>>
          tpu.wait_dma2 semaphore(%run_scoped3A_31 : memref<!tpu.dma_semaphore, #tpu.memory_space<semaphore_mem>>) src(%run_scoped3A_2 : memref<64x128xf32, #tpu.memory_space<vmem>>) dst(%dma_wait3A_37 : memref<64x128xf32, #tpu.memory_space<vmem_shared>>)
          tpu.yield
        }) : () -> ()
      }
      %scan3A_11 = arith.constant 10 : i32
      %barrier3A = arith.constant 0 : index
      tpu.barrier barrier_id(%barrier3A)
      %scan3A_12 = arith.constant 0 : i32
      %scan3A_13 = arith.constant 0 : i32
      %scan3A_14 = arith.constant 5 : i32
      %scan3A_15 = arith.addi %scan3A_13, %scan3A_14 : i32
      %scan3A_16 = arith.constant 1 : i32
      scf.for %scan3A_25 = %scan3A_13 to %scan3A_15 step %scan3A_16  : i32 {
        %mul3A_26 = arith.constant 16 : i32
        %mul3A_27 = arith.muli %scan3A_25, %mul3A_26 : i32
        "tpu.region"() ({
          %run_scoped3A_36 = tpu.sem_alloc : memref<!tpu.dma_semaphore, #tpu.memory_space<semaphore_mem>>
          %dma_start3A = arith.constant 0 : i32
          %dma_start3A_37 = tpu.memref_slice %arg3[%add3A, %mul3A_27, %dma_start3A] : memref<32x80x128xi32, #tpu.memory_space<hbm>> -> memref<1x16x128xi32, #tpu.memory_space<hbm>>
          %dma_start3A_38 = tpu.memref_squeeze %dma_start3A_37 : memref<1x16x128xi32, #tpu.memory_space<hbm>> -> memref<16x128xi32, #tpu.memory_space<hbm>>
          %dma_start3A_39 = arith.constant 0 : i32
          %dma_start3A_40 = tpu.memref_slice %arg3[%add3A, %mul3A_27, %dma_start3A_39] : memref<32x80x128xi32, #tpu.memory_space<hbm>> -> memref<1x16x128xi32, #tpu.memory_space<hbm>>
          %dma_start3A_41 = tpu.memref_squeeze %dma_start3A_40 : memref<1x16x128xi32, #tpu.memory_space<hbm>> -> memref<16x128xi32, #tpu.memory_space<hbm>>
          tpu.enqueue_dma source(%dma_start3A_41 : memref<16x128xi32, #tpu.memory_space<hbm>>) target(%run_scoped3A : memref<16x128xi32, #tpu.memory_space<vmem>>) target_semaphore(%run_scoped3A_36 : memref<!tpu.dma_semaphore, #tpu.memory_space<semaphore_mem>>)
          %dma_wait3A = arith.constant 0 : i32
          %dma_wait3A_42 = tpu.memref_slice %arg3[%add3A, %mul3A_27, %dma_wait3A] : memref<32x80x128xi32, #tpu.memory_space<hbm>> -> memref<1x16x128xi32, #tpu.memory_space<hbm>>
          %dma_wait3A_43 = tpu.memref_squeeze %dma_wait3A_42 : memref<1x16x128xi32, #tpu.memory_space<hbm>> -> memref<16x128xi32, #tpu.memory_space<hbm>>
          %dma_wait3A_44 = arith.constant 0 : i32
          %dma_wait3A_45 = tpu.memref_slice %arg3[%add3A, %mul3A_27, %dma_wait3A_44] : memref<32x80x128xi32, #tpu.memory_space<hbm>> -> memref<1x16x128xi32, #tpu.memory_space<hbm>>
          %dma_wait3A_46 = tpu.memref_squeeze %dma_wait3A_45 : memref<1x16x128xi32, #tpu.memory_space<hbm>> -> memref<16x128xi32, #tpu.memory_space<hbm>>
          tpu.wait_dma2 semaphore(%run_scoped3A_36 : memref<!tpu.dma_semaphore, #tpu.memory_space<semaphore_mem>>) src(%dma_wait3A_46 : memref<16x128xi32, #tpu.memory_space<hbm>>) dst(%run_scoped3A : memref<16x128xi32, #tpu.memory_space<vmem>>)
          tpu.yield
        }) : () -> ()
        %mul3A_28 = arith.constant 16 : i32
        %mul3A_29 = arith.muli %scan3A_25, %mul3A_28 : i32
        "tpu.region"() ({
          %run_scoped3A_36 = tpu.sem_alloc : memref<!tpu.dma_semaphore, #tpu.memory_space<semaphore_mem>>
          %dma_start3A = arith.constant 0 : i32
          %dma_start3A_37 = tpu.memref_slice %arg4[%add3A, %mul3A_29, %dma_start3A] : memref<32x80x128xi32, #tpu.memory_space<hbm>> -> memref<1x16x128xi32, #tpu.memory_space<hbm>>
          %dma_start3A_38 = tpu.memref_squeeze %dma_start3A_37 : memref<1x16x128xi32, #tpu.memory_space<hbm>> -> memref<16x128xi32, #tpu.memory_space<hbm>>
          %dma_start3A_39 = arith.constant 0 : i32
          %dma_start3A_40 = tpu.memref_slice %arg4[%add3A, %mul3A_29, %dma_start3A_39] : memref<32x80x128xi32, #tpu.memory_space<hbm>> -> memref<1x16x128xi32, #tpu.memory_space<hbm>>
          %dma_start3A_41 = tpu.memref_squeeze %dma_start3A_40 : memref<1x16x128xi32, #tpu.memory_space<hbm>> -> memref<16x128xi32, #tpu.memory_space<hbm>>
          tpu.enqueue_dma source(%dma_start3A_41 : memref<16x128xi32, #tpu.memory_space<hbm>>) target(%run_scoped3A_1 : memref<16x128xi32, #tpu.memory_space<vmem>>) target_semaphore(%run_scoped3A_36 : memref<!tpu.dma_semaphore, #tpu.memory_space<semaphore_mem>>)
          %dma_wait3A = arith.constant 0 : i32
          %dma_wait3A_42 = tpu.memref_slice %arg4[%add3A, %mul3A_29, %dma_wait3A] : memref<32x80x128xi32, #tpu.memory_space<hbm>> -> memref<1x16x128xi32, #tpu.memory_space<hbm>>
          %dma_wait3A_43 = tpu.memref_squeeze %dma_wait3A_42 : memref<1x16x128xi32, #tpu.memory_space<hbm>> -> memref<16x128xi32, #tpu.memory_space<hbm>>
          %dma_wait3A_44 = arith.constant 0 : i32
          %dma_wait3A_45 = tpu.memref_slice %arg4[%add3A, %mul3A_29, %dma_wait3A_44] : memref<32x80x128xi32, #tpu.memory_space<hbm>> -> memref<1x16x128xi32, #tpu.memory_space<hbm>>
          %dma_wait3A_46 = tpu.memref_squeeze %dma_wait3A_45 : memref<1x16x128xi32, #tpu.memory_space<hbm>> -> memref<16x128xi32, #tpu.memory_space<hbm>>
          tpu.wait_dma2 semaphore(%run_scoped3A_36 : memref<!tpu.dma_semaphore, #tpu.memory_space<semaphore_mem>>) src(%dma_wait3A_46 : memref<16x128xi32, #tpu.memory_space<hbm>>) dst(%run_scoped3A_1 : memref<16x128xi32, #tpu.memory_space<vmem>>)
          tpu.yield
        }) : () -> ()
        %scan3A_30 = arith.constant 0 : i32
        %scan3A_31 = arith.constant 0 : i32
        %scan3A_32 = arith.constant 8 : i32
        %scan3A_33 = arith.addi %scan3A_31, %scan3A_32 : i32
        %scan3A_34 = arith.constant 1 : i32
        scf.for %scan3A_36 = %scan3A_31 to %scan3A_33 step %scan3A_34  : i32 {
          %mul3A_37 = arith.constant 2 : i32
          %mul3A_38 = arith.muli %mul3A_37, %scan3A_36 : i32
          %dma_start3A = arith.constant 0 : i32
          %dma_start3A_39 = tpu.memref_slice %run_scoped3A[%mul3A_38, %dma_start3A] : memref<16x128xi32, #tpu.memory_space<vmem>> -> memref<1x128xi32, #tpu.memory_space<vmem>>
          %dma_start3A_40 = tpu.memref_squeeze %dma_start3A_39 : memref<1x128xi32, #tpu.memory_space<vmem>> -> memref<128xi32, #tpu.memory_space<vmem>>
          %dma_start3A_41 = arith.constant 0 : i32
          %dma_start3A_42 = arith.constant 0 : i32
          %dma_start3A_43 = tpu.memref_slice %arg2[%dma_start3A_41, %dma_start3A_42] : memref<10240x128xf32, #tpu.memory_space<hbm>> -> memref<10240x128xf32, #tpu.memory_space<hbm>>
          tpu.enqueue_indirect_dma source(%dma_start3A_43 : memref<10240x128xf32, #tpu.memory_space<hbm>>) target(%run_scoped3A_3 : memref<128x128xf32, #tpu.memory_space<vmem>>) offsets(%dma_start3A_40 : memref<128xi32, #tpu.memory_space<vmem>>) semaphore(%run_scoped3A_5 : memref<!tpu.dma_semaphore, #tpu.memory_space<semaphore_mem>>)
          %add3A_44 = arith.constant 1 : i32
          %add3A_45 = arith.addi %mul3A_38, %add3A_44 : i32
          %dma_start3A_46 = arith.constant 0 : i32
          %dma_start3A_47 = tpu.memref_slice %run_scoped3A[%add3A_45, %dma_start3A_46] : memref<16x128xi32, #tpu.memory_space<vmem>> -> memref<1x128xi32, #tpu.memory_space<vmem>>
          %dma_start3A_48 = tpu.memref_squeeze %dma_start3A_47 : memref<1x128xi32, #tpu.memory_space<vmem>> -> memref<128xi32, #tpu.memory_space<vmem>>
          %dma_start3A_49 = arith.constant 0 : i32
          %dma_start3A_50 = arith.constant 0 : i32
          %dma_start3A_51 = tpu.memref_slice %arg2[%dma_start3A_49, %dma_start3A_50] : memref<10240x128xf32, #tpu.memory_space<hbm>> -> memref<10240x128xf32, #tpu.memory_space<hbm>>
          tpu.enqueue_indirect_dma source(%dma_start3A_51 : memref<10240x128xf32, #tpu.memory_space<hbm>>) target(%run_scoped3A_4 : memref<128x128xf32, #tpu.memory_space<vmem>>) offsets(%dma_start3A_48 : memref<128xi32, #tpu.memory_space<vmem>>) semaphore(%run_scoped3A_6 : memref<!tpu.dma_semaphore, #tpu.memory_space<semaphore_mem>>)
          %dma_wait3A = arith.constant 0 : i32
          %dma_wait3A_52 = tpu.memref_slice %run_scoped3A[%mul3A_38, %dma_wait3A] : memref<16x128xi32, #tpu.memory_space<vmem>> -> memref<1x128xi32, #tpu.memory_space<vmem>>
          %dma_wait3A_53 = tpu.memref_squeeze %dma_wait3A_52 : memref<1x128xi32, #tpu.memory_space<vmem>> -> memref<128xi32, #tpu.memory_space<vmem>>
          %dma_wait3A_54 = arith.constant 0 : i32
          %dma_wait3A_55 = arith.constant 0 : i32
          %dma_wait3A_56 = tpu.memref_slice %arg2[%dma_wait3A_54, %dma_wait3A_55] : memref<10240x128xf32, #tpu.memory_space<hbm>> -> memref<10240x128xf32, #tpu.memory_space<hbm>>
          tpu.wait_indirect_dma semaphore(%run_scoped3A_5 : memref<!tpu.dma_semaphore, #tpu.memory_space<semaphore_mem>>) src(%dma_wait3A_56 : memref<10240x128xf32, #tpu.memory_space<hbm>>) dst(%run_scoped3A_3 : memref<128x128xf32, #tpu.memory_space<vmem>>)
          "tpu.region"() ({
            %run_scoped3A_65 = tpu.sem_alloc : memref<!tpu.dma_semaphore, #tpu.memory_space<semaphore_mem>>
            %dma_start3A_66 = arith.constant 0 : i32
            %dma_start3A_67 = tpu.memref_slice %run_scoped3A_1[%mul3A_38, %dma_start3A_66] : memref<16x128xi32, #tpu.memory_space<vmem>> -> memref<1x128xi32, #tpu.memory_space<vmem>>
            %dma_start3A_68 = tpu.memref_squeeze %dma_start3A_67 : memref<1x128xi32, #tpu.memory_space<vmem>> -> memref<128xi32, #tpu.memory_space<vmem>>
            %dma_start3A_69 = arith.constant 0 : i32
            %dma_start3A_70 = arith.constant 0 : i32
            %dma_start3A_71 = tpu.memref_slice %arg7[%dma_start3A_69, %dma_start3A_70] : memref<10240x128xf32, #tpu.memory_space<vmem_shared>> -> memref<10240x128xf32, #tpu.memory_space<vmem_shared>>
            tpu.enqueue_indirect_dma source(%run_scoped3A_3 : memref<128x128xf32, #tpu.memory_space<vmem>>) target(%dma_start3A_71 : memref<10240x128xf32, #tpu.memory_space<vmem_shared>>) offsets(%dma_start3A_68 : memref<128xi32, #tpu.memory_space<vmem>>) semaphore(%run_scoped3A_65 : memref<!tpu.dma_semaphore, #tpu.memory_space<semaphore_mem>>) {add = true}
            %dma_wait3A_72 = arith.constant 0 : i32
            %dma_wait3A_73 = tpu.memref_slice %run_scoped3A_1[%mul3A_38, %dma_wait3A_72] : memref<16x128xi32, #tpu.memory_space<vmem>> -> memref<1x128xi32, #tpu.memory_space<vmem>>
            %dma_wait3A_74 = tpu.memref_squeeze %dma_wait3A_73 : memref<1x128xi32, #tpu.memory_space<vmem>> -> memref<128xi32, #tpu.memory_space<vmem>>
            %dma_wait3A_75 = arith.constant 0 : i32
            %dma_wait3A_76 = arith.constant 0 : i32
            %dma_wait3A_77 = tpu.memref_slice %arg7[%dma_wait3A_75, %dma_wait3A_76] : memref<10240x128xf32, #tpu.memory_space<vmem_shared>> -> memref<10240x128xf32, #tpu.memory_space<vmem_shared>>
            tpu.wait_indirect_dma semaphore(%run_scoped3A_65 : memref<!tpu.dma_semaphore, #tpu.memory_space<semaphore_mem>>) src(%run_scoped3A_3 : memref<128x128xf32, #tpu.memory_space<vmem>>) dst(%dma_wait3A_77 : memref<10240x128xf32, #tpu.memory_space<vmem_shared>>)
            tpu.yield
          }) : () -> ()
          %dma_wait3A_57 = arith.constant 0 : i32
          %dma_wait3A_58 = tpu.memref_slice %run_scoped3A[%add3A_45, %dma_wait3A_57] : memref<16x128xi32, #tpu.memory_space<vmem>> -> memref<1x128xi32, #tpu.memory_space<vmem>>
          %dma_wait3A_59 = tpu.memref_squeeze %dma_wait3A_58 : memref<1x128xi32, #tpu.memory_space<vmem>> -> memref<128xi32, #tpu.memory_space<vmem>>
          %dma_wait3A_60 = arith.constant 0 : i32
          %dma_wait3A_61 = arith.constant 0 : i32
          %dma_wait3A_62 = tpu.memref_slice %arg2[%dma_wait3A_60, %dma_wait3A_61] : memref<10240x128xf32, #tpu.memory_space<hbm>> -> memref<10240x128xf32, #tpu.memory_space<hbm>>
          tpu.wait_indirect_dma semaphore(%run_scoped3A_6 : memref<!tpu.dma_semaphore, #tpu.memory_space<semaphore_mem>>) src(%dma_wait3A_62 : memref<10240x128xf32, #tpu.memory_space<hbm>>) dst(%run_scoped3A_4 : memref<128x128xf32, #tpu.memory_space<vmem>>)
          %add3A_63 = arith.constant 1 : i32
          %add3A_64 = arith.addi %mul3A_38, %add3A_63 : i32
          "tpu.region"() ({
            %run_scoped3A_65 = tpu.sem_alloc : memref<!tpu.dma_semaphore, #tpu.memory_space<semaphore_mem>>
            %dma_start3A_66 = arith.constant 0 : i32
            %dma_start3A_67 = tpu.memref_slice %run_scoped3A_1[%add3A_64, %dma_start3A_66] : memref<16x128xi32, #tpu.memory_space<vmem>> -> memref<1x128xi32, #tpu.memory_space<vmem>>
            %dma_start3A_68 = tpu.memref_squeeze %dma_start3A_67 : memref<1x128xi32, #tpu.memory_space<vmem>> -> memref<128xi32, #tpu.memory_space<vmem>>
            %dma_start3A_69 = arith.constant 0 : i32
            %dma_start3A_70 = arith.constant 0 : i32
            %dma_start3A_71 = tpu.memref_slice %arg7[%dma_start3A_69, %dma_start3A_70] : memref<10240x128xf32, #tpu.memory_space<vmem_shared>> -> memref<10240x128xf32, #tpu.memory_space<vmem_shared>>
            tpu.enqueue_indirect_dma source(%run_scoped3A_4 : memref<128x128xf32, #tpu.memory_space<vmem>>) target(%dma_start3A_71 : memref<10240x128xf32, #tpu.memory_space<vmem_shared>>) offsets(%dma_start3A_68 : memref<128xi32, #tpu.memory_space<vmem>>) semaphore(%run_scoped3A_65 : memref<!tpu.dma_semaphore, #tpu.memory_space<semaphore_mem>>) {add = true}
            %dma_wait3A_72 = arith.constant 0 : i32
            %dma_wait3A_73 = tpu.memref_slice %run_scoped3A_1[%add3A_64, %dma_wait3A_72] : memref<16x128xi32, #tpu.memory_space<vmem>> -> memref<1x128xi32, #tpu.memory_space<vmem>>
            %dma_wait3A_74 = tpu.memref_squeeze %dma_wait3A_73 : memref<1x128xi32, #tpu.memory_space<vmem>> -> memref<128xi32, #tpu.memory_space<vmem>>
            %dma_wait3A_75 = arith.constant 0 : i32
            %dma_wait3A_76 = arith.constant 0 : i32
            %dma_wait3A_77 = tpu.memref_slice %arg7[%dma_wait3A_75, %dma_wait3A_76] : memref<10240x128xf32, #tpu.memory_space<vmem_shared>> -> memref<10240x128xf32, #tpu.memory_space<vmem_shared>>
            tpu.wait_indirect_dma semaphore(%run_scoped3A_65 : memref<!tpu.dma_semaphore, #tpu.memory_space<semaphore_mem>>) src(%run_scoped3A_4 : memref<128x128xf32, #tpu.memory_space<vmem>>) dst(%dma_wait3A_77 : memref<10240x128xf32, #tpu.memory_space<vmem_shared>>)
            tpu.yield
          }) : () -> ()
        }
        %scan3A_35 = arith.constant 8 : i32
      }
      %scan3A_17 = arith.constant 5 : i32
      %barrier3A_18 = arith.constant 0 : index
      tpu.barrier barrier_id(%barrier3A_18)
      %scan3A_19 = arith.constant 0 : i32
      %scan3A_20 = arith.constant 0 : i32
      %scan3A_21 = arith.constant 10 : i32
      %scan3A_22 = arith.addi %scan3A_20, %scan3A_21 : i32
      %scan3A_23 = arith.constant 1 : i32
      scf.for %scan3A_25 = %scan3A_20 to %scan3A_22 step %scan3A_23  : i32 {
        %mul3A_26 = arith.constant 640 : i32
        %mul3A_27 = arith.muli %arg1, %mul3A_26 : i32
        %mul3A_28 = arith.constant 64 : i32
        %mul3A_29 = arith.muli %scan3A_25, %mul3A_28 : i32
        %add3A_30 = arith.addi %mul3A_27, %mul3A_29 : i32
        "tpu.region"() ({
          %run_scoped3A_39 = tpu.sem_alloc : memref<!tpu.dma_semaphore, #tpu.memory_space<semaphore_mem>>
          %dma_start3A = arith.constant 0 : i32
          %dma_start3A_40 = tpu.memref_slice %arg7[%add3A_30, %dma_start3A] : memref<10240x128xf32, #tpu.memory_space<vmem_shared>> -> memref<64x128xf32, #tpu.memory_space<vmem_shared>>
          %dma_start3A_41 = arith.constant 0 : i32
          %dma_start3A_42 = tpu.memref_slice %arg7[%add3A_30, %dma_start3A_41] : memref<10240x128xf32, #tpu.memory_space<vmem_shared>> -> memref<64x128xf32, #tpu.memory_space<vmem_shared>>
          tpu.enqueue_dma source(%dma_start3A_42 : memref<64x128xf32, #tpu.memory_space<vmem_shared>>) target(%run_scoped3A_2 : memref<64x128xf32, #tpu.memory_space<vmem>>) target_semaphore(%run_scoped3A_39 : memref<!tpu.dma_semaphore, #tpu.memory_space<semaphore_mem>>)
          %dma_wait3A = arith.constant 0 : i32
          %dma_wait3A_43 = tpu.memref_slice %arg7[%add3A_30, %dma_wait3A] : memref<10240x128xf32, #tpu.memory_space<vmem_shared>> -> memref<64x128xf32, #tpu.memory_space<vmem_shared>>
          %dma_wait3A_44 = arith.constant 0 : i32
          %dma_wait3A_45 = tpu.memref_slice %arg7[%add3A_30, %dma_wait3A_44] : memref<10240x128xf32, #tpu.memory_space<vmem_shared>> -> memref<64x128xf32, #tpu.memory_space<vmem_shared>>
          tpu.wait_dma2 semaphore(%run_scoped3A_39 : memref<!tpu.dma_semaphore, #tpu.memory_space<semaphore_mem>>) src(%dma_wait3A_45 : memref<64x128xf32, #tpu.memory_space<vmem_shared>>) dst(%run_scoped3A_2 : memref<64x128xf32, #tpu.memory_space<vmem>>)
          tpu.yield
        }) : () -> ()
        %mul3A_31 = arith.constant 10240 : i32
        %mul3A_32 = arith.muli %arg0, %mul3A_31 : i32
        %mul3A_33 = arith.constant 640 : i32
        %mul3A_34 = arith.muli %arg1, %mul3A_33 : i32
        %add3A_35 = arith.addi %mul3A_32, %mul3A_34 : i32
        %mul3A_36 = arith.constant 64 : i32
        %mul3A_37 = arith.muli %scan3A_25, %mul3A_36 : i32
        %add3A_38 = arith.addi %add3A_35, %mul3A_37 : i32
        "tpu.region"() ({
          %run_scoped3A_39 = tpu.sem_alloc : memref<!tpu.dma_semaphore, #tpu.memory_space<semaphore_mem>>
          %dma_start3A = arith.constant 0 : i32
          %dma_start3A_40 = tpu.memref_slice %arg6[%add3A_38, %dma_start3A] : memref<20480x128xf32, #tpu.memory_space<hbm>> -> memref<64x128xf32, #tpu.memory_space<hbm>>
          %dma_start3A_41 = arith.constant 0 : i32
          %dma_start3A_42 = tpu.memref_slice %arg6[%add3A_38, %dma_start3A_41] : memref<20480x128xf32, #tpu.memory_space<hbm>> -> memref<64x128xf32, #tpu.memory_space<hbm>>
          tpu.enqueue_dma source(%run_scoped3A_2 : memref<64x128xf32, #tpu.memory_space<vmem>>) target(%dma_start3A_42 : memref<64x128xf32, #tpu.memory_space<hbm>>) target_semaphore(%run_scoped3A_39 : memref<!tpu.dma_semaphore, #tpu.memory_space<semaphore_mem>>)
          %dma_wait3A = arith.constant 0 : i32
          %dma_wait3A_43 = tpu.memref_slice %arg6[%add3A_38, %dma_wait3A] : memref<20480x128xf32, #tpu.memory_space<hbm>> -> memref<64x128xf32, #tpu.memory_space<hbm>>
          %dma_wait3A_44 = arith.constant 0 : i32
          %dma_wait3A_45 = tpu.memref_slice %arg6[%add3A_38, %dma_wait3A_44] : memref<20480x128xf32, #tpu.memory_space<hbm>> -> memref<64x128xf32, #tpu.memory_space<hbm>>
          tpu.wait_dma2 semaphore(%run_scoped3A_39 : memref<!tpu.dma_semaphore, #tpu.memory_space<semaphore_mem>>) src(%run_scoped3A_2 : memref<64x128xf32, #tpu.memory_space<vmem>>) dst(%dma_wait3A_45 : memref<64x128xf32, #tpu.memory_space<hbm>>)
          tpu.yield
        }) : () -> ()
      }
      %scan3A_24 = arith.constant 10 : i32
      tpu.yield
    }) : () -> ()
    return
  }
}

module attributes {stable_mosaic.version = 14 : i64} {
  func.func @_y_body(%arg0: i32, %arg1: memref<1024x128xf32, #tpu.memory_space<vmem>>, %arg2: memref<1024x1xf32, #tpu.memory_space<vmem>>, %arg3: memref<1024x1xf32, #tpu.memory_space<vmem>>, %arg4: memref<1024x128xf32, #tpu.memory_space<vmem>>) attributes {dimension_semantics = [#tpu.dimension_semantics<arbitrary>], iteration_bounds = array<i64: 10>, scalar_prefetch = 0 : i64, scratch_operands = 0 : i64, tpu.core_type = #tpu.core_type<tc>, window_params = [{transform_indices = @transform_0, window_bounds = array<i64: 1024, 128>}, {transform_indices = @transform_1, window_bounds = array<i64: 1024, 1>}, {transform_indices = @transform_2, window_bounds = array<i64: 1024, 1>}, {transform_indices = @transform_3, window_bounds = array<i64: 1024, 128>}]} {
    %get3A = arith.constant 0 : index
    %get3A_0 = arith.constant 0 : index
    %get3A_1 = vector.load %arg2[%get3A, %get3A_0] : memref<1024x1xf32, #tpu.memory_space<vmem>>, vector<1024x1xf32>
    %get3A_2 = arith.constant 0 : index
    %get3A_3 = arith.constant 0 : index
    %get3A_4 = vector.load %arg3[%get3A_2, %get3A_3] : memref<1024x1xf32, #tpu.memory_space<vmem>>, vector<1024x1xf32>
    %add3A = arith.addf %get3A_1, %get3A_4 : vector<1024x1xf32>
    %add3A_5 = arith.constant 1.000000e+00 : f32
    %add3A_6 = vector.broadcast %add3A_5 : f32 to vector<1024x1xf32>
    %add3A_7 = arith.addf %add3A, %add3A_6 : vector<1024x1xf32>
    %get3A_8 = arith.constant 0 : index
    %get3A_9 = arith.constant 0 : index
    %get3A_10 = vector.load %arg1[%get3A_8, %get3A_9] : memref<1024x128xf32, #tpu.memory_space<vmem>>, vector<1024x128xf32>
    %rsqrt3A = math.rsqrt %add3A_7 : vector<1024x1xf32>
    %mul3A = vector.broadcast %rsqrt3A : vector<1024x1xf32> to vector<1024x128xf32>
    %mul3A_11 = arith.mulf %get3A_10, %mul3A : vector<1024x128xf32>
    %swap3A = arith.constant 0 : index
    %swap3A_12 = arith.constant 0 : index
    %swap3A_13 = vector.load %arg4[%swap3A, %swap3A_12] : memref<1024x128xf32, #tpu.memory_space<vmem>>, vector<1024x128xf32>
    tpu.vector_store %arg4[%swap3A, %swap3A_12], %mul3A_11 {strides = array<i32>} : memref<1024x128xf32, #tpu.memory_space<vmem>>, vector<1024x128xf32>,
    return
  }
  func.func @transform_0(%arg0: i32) -> (i32, i32) {
    %c0_i32 = arith.constant 0 : i32
    %c0_i32_0 = arith.constant 0 : i32
    return %arg0, %c0_i32 : i32, i32
  }
  func.func @transform_1(%arg0: i32) -> (i32, i32) {
    %c0_i32 = arith.constant 0 : i32
    %c0_i32_0 = arith.constant 0 : i32
    return %arg0, %c0_i32 : i32, i32
  }
  func.func @transform_2(%arg0: i32) -> (i32, i32) {
    %c0_i32 = arith.constant 0 : i32
    %c0_i32_0 = arith.constant 0 : i32
    return %arg0, %c0_i32 : i32, i32
  }
  func.func @transform_3(%arg0: i32) -> (i32, i32) {
    %c0_i32 = arith.constant 0 : i32
    %c0_i32_0 = arith.constant 0 : i32
    return %arg0, %c0_i32 : i32, i32
  }
}

module attributes {stable_mosaic.version = 14 : i64} {
  func.func @_out_body(%arg0: i32, %arg1: memref<1024x128xf32, #tpu.memory_space<vmem>>, %arg2: memref<1024x1xf32, #tpu.memory_space<vmem>>, %arg3: memref<1024x1xf32, #tpu.memory_space<vmem>>, %arg4: memref<1024x128xf32, #tpu.memory_space<vmem>>, %arg5: memref<1024x128xf32, #tpu.memory_space<vmem>>, %arg6: memref<128x128xf32, #tpu.memory_space<vmem>>, %arg7: memref<128x128xf32, #tpu.memory_space<vmem>>, %arg8: memref<1x128xf32, #tpu.memory_space<vmem>>, %arg9: memref<1x128xf32, #tpu.memory_space<vmem>>, %arg10: memref<1024x128xf32, #tpu.memory_space<vmem>>) attributes {dimension_semantics = [#tpu.dimension_semantics<arbitrary>], iteration_bounds = array<i64: 10>, scalar_prefetch = 0 : i64, scratch_operands = 0 : i64, tpu.core_type = #tpu.core_type<tc>, window_params = [{transform_indices = @transform_0, window_bounds = array<i64: 1024, 128>}, {transform_indices = @transform_1, window_bounds = array<i64: 1024, 1>}, {transform_indices = @transform_2, window_bounds = array<i64: 1024, 1>}, {transform_indices = @transform_3, window_bounds = array<i64: 1024, 128>}, {transform_indices = @transform_4, window_bounds = array<i64: 1024, 128>}, {pipeline_mode = #tpu.pipeline_mode<synchronous>, transform_indices = @transform_5, window_bounds = array<i64: 128, 128>}, {pipeline_mode = #tpu.pipeline_mode<synchronous>, transform_indices = @transform_6, window_bounds = array<i64: 128, 128>}, {pipeline_mode = #tpu.pipeline_mode<synchronous>, transform_indices = @transform_7, window_bounds = array<i64: 1, 128>}, {pipeline_mode = #tpu.pipeline_mode<synchronous>, transform_indices = @transform_8, window_bounds = array<i64: 1, 128>}, {transform_indices = @transform_9, window_bounds = array<i64: 1024, 128>}]} {
    %get3A = arith.constant 0 : index
    %get3A_0 = arith.constant 0 : index
    %get3A_1 = vector.load %arg2[%get3A, %get3A_0] : memref<1024x1xf32, #tpu.memory_space<vmem>>, vector<1024x1xf32>
    %get3A_2 = arith.constant 0 : index
    %get3A_3 = arith.constant 0 : index
    %get3A_4 = vector.load %arg3[%get3A_2, %get3A_3] : memref<1024x1xf32, #tpu.memory_space<vmem>>, vector<1024x1xf32>
    %add3A = arith.addf %get3A_1, %get3A_4 : vector<1024x1xf32>
    %add3A_5 = arith.constant 1.000000e+00 : f32
    %add3A_6 = vector.broadcast %add3A_5 : f32 to vector<1024x1xf32>
    %add3A_7 = arith.addf %add3A, %add3A_6 : vector<1024x1xf32>
    %get3A_8 = arith.constant 0 : index
    %get3A_9 = arith.constant 0 : index
    %get3A_10 = vector.load %arg4[%get3A_8, %get3A_9] : memref<1024x128xf32, #tpu.memory_space<vmem>>, vector<1024x128xf32>
    %get3A_11 = arith.constant 0 : index
    %get3A_12 = arith.constant 0 : index
    %get3A_13 = vector.load %arg5[%get3A_11, %get3A_12] : memref<1024x128xf32, #tpu.memory_space<vmem>>, vector<1024x128xf32>
    %add3A_14 = arith.addf %get3A_10, %get3A_13 : vector<1024x128xf32>
    %rsqrt3A = math.rsqrt %add3A_7 : vector<1024x1xf32>
    %mul3A = vector.broadcast %rsqrt3A : vector<1024x1xf32> to vector<1024x128xf32>
    %mul3A_15 = arith.mulf %add3A_14, %mul3A : vector<1024x128xf32>
    %get3A_16 = arith.constant 0 : index
    %get3A_17 = arith.constant 0 : index
    %get3A_18 = vector.load %arg1[%get3A_16, %get3A_17] : memref<1024x128xf32, #tpu.memory_space<vmem>>, vector<1024x128xf32>
    %div3A = vector.broadcast %add3A_7 : vector<1024x1xf32> to vector<1024x128xf32>
    %div3A_19 = arith.divf %get3A_18, %div3A : vector<1024x128xf32>
    %add3A_20 = arith.addf %mul3A_15, %div3A_19 : vector<1024x128xf32>
    %get3A_21 = arith.constant 0 : index
    %get3A_22 = arith.constant 0 : index
    %get3A_23 = vector.load %arg6[%get3A_21, %get3A_22] : memref<128x128xf32, #tpu.memory_space<vmem>>, vector<128x128xf32>
    %get3A_24 = arith.constant 0 : index
    %get3A_25 = arith.constant 0 : index
    %get3A_26 = vector.load %arg7[%get3A_24, %get3A_25] : memref<128x128xf32, #tpu.memory_space<vmem>>, vector<128x128xf32>
    %dot_general3A = arith.constant dense<0.000000e+00> : vector<128x128xf32>
    %dot_general3A_27 = tpu.matmul %get3A_23, %get3A_26, %dot_general3A {dimension_numbers = #tpu.dot_dimension_numbers<[1], [0], [0], [1], [0, 0, 1, 1], [], []>, transpose_lhs_hint = false} : vector<128x128xf32>, vector<128x128xf32>, vector<128x128xf32> -> vector<128x128xf32>
    %get3A_28 = arith.constant 0 : index
    %get3A_29 = arith.constant 0 : index
    %get3A_30 = vector.load %arg8[%get3A_28, %get3A_29] : memref<1x128xf32, #tpu.memory_space<vmem>>, vector<1x128xf32>
    %get3A_31 = arith.constant 0 : index
    %get3A_32 = arith.constant 0 : index
    %get3A_33 = vector.load %arg7[%get3A_31, %get3A_32] : memref<128x128xf32, #tpu.memory_space<vmem>>, vector<128x128xf32>
    %dot_general3A_34 = arith.constant dense<0.000000e+00> : vector<1x128xf32>
    %dot_general3A_35 = tpu.matmul %get3A_30, %get3A_33, %dot_general3A_34 {dimension_numbers = #tpu.dot_dimension_numbers<[1], [0], [0], [1], [0, 0, 1, 1], [], []>, transpose_lhs_hint = false} : vector<1x128xf32>, vector<128x128xf32>, vector<1x128xf32> -> vector<1x128xf32>
    %dot_general3A_36 = arith.constant dense<0.000000e+00> : vector<1024x128xf32>
    %dot_general3A_37 = tpu.matmul %add3A_20, %dot_general3A_27, %dot_general3A_36 {dimension_numbers = #tpu.dot_dimension_numbers<[1], [0], [0], [1], [0, 0, 1, 1], [], []>, transpose_lhs_hint = false} : vector<1024x128xf32>, vector<128x128xf32>, vector<1024x128xf32> -> vector<1024x128xf32>
    %add3A_38 = vector.broadcast %dot_general3A_35 : vector<1x128xf32> to vector<1024x128xf32>
    %add3A_39 = arith.addf %dot_general3A_37, %add3A_38 : vector<1024x128xf32>
    %get3A_40 = arith.constant 0 : index
    %get3A_41 = arith.constant 0 : index
    %get3A_42 = vector.load %arg9[%get3A_40, %get3A_41] : memref<1x128xf32, #tpu.memory_space<vmem>>, vector<1x128xf32>
    %add3A_43 = vector.broadcast %get3A_42 : vector<1x128xf32> to vector<1024x128xf32>
    %add3A_44 = arith.addf %add3A_39, %add3A_43 : vector<1024x128xf32>
    %swap3A = arith.constant 0 : index
    %swap3A_45 = arith.constant 0 : index
    %swap3A_46 = vector.load %arg10[%swap3A, %swap3A_45] : memref<1024x128xf32, #tpu.memory_space<vmem>>, vector<1024x128xf32>
    tpu.vector_store %arg10[%swap3A, %swap3A_45], %add3A_44 {strides = array<i32>} : memref<1024x128xf32, #tpu.memory_space<vmem>>, vector<1024x128xf32>,
    return
  }
  func.func @transform_0(%arg0: i32) -> (i32, i32) {
    %c0_i32 = arith.constant 0 : i32
    %c0_i32_0 = arith.constant 0 : i32
    return %arg0, %c0_i32 : i32, i32
  }
  func.func @transform_1(%arg0: i32) -> (i32, i32) {
    %c0_i32 = arith.constant 0 : i32
    %c0_i32_0 = arith.constant 0 : i32
    return %arg0, %c0_i32 : i32, i32
  }
  func.func @transform_2(%arg0: i32) -> (i32, i32) {
    %c0_i32 = arith.constant 0 : i32
    %c0_i32_0 = arith.constant 0 : i32
    return %arg0, %c0_i32 : i32, i32
  }
  func.func @transform_3(%arg0: i32) -> (i32, i32) {
    %c0_i32 = arith.constant 0 : i32
    %c0_i32_0 = arith.constant 0 : i32
    return %arg0, %c0_i32 : i32, i32
  }
  func.func @transform_4(%arg0: i32) -> (i32, i32) {
    %c0_i32 = arith.constant 0 : i32
    %c0_i32_0 = arith.constant 0 : i32
    return %arg0, %c0_i32 : i32, i32
  }
  func.func @transform_5(%arg0: i32) -> (i32, i32) {
    %c0_i32 = arith.constant 0 : i32
    %c0_i32_0 = arith.constant 0 : i32
    %c0_i32_1 = arith.constant 0 : i32
    return %c0_i32, %c0_i32_0 : i32, i32
  }
  func.func @transform_6(%arg0: i32) -> (i32, i32) {
    %c0_i32 = arith.constant 0 : i32
    %c0_i32_0 = arith.constant 0 : i32
    %c0_i32_1 = arith.constant 0 : i32
    return %c0_i32, %c0_i32_0 : i32, i32
  }
  func.func @transform_7(%arg0: i32) -> (i32, i32) {
    %c0_i32 = arith.constant 0 : i32
    %c0_i32_0 = arith.constant 0 : i32
    %c0_i32_1 = arith.constant 0 : i32
    return %c0_i32, %c0_i32_0 : i32, i32
  }
  func.func @transform_8(%arg0: i32) -> (i32, i32) {
    %c0_i32 = arith.constant 0 : i32
    %c0_i32_0 = arith.constant 0 : i32
    %c0_i32_1 = arith.constant 0 : i32
    return %c0_i32, %c0_i32_0 : i32, i32
  }
  func.func @transform_9(%arg0: i32) -> (i32, i32) {
    %c0_i32 = arith.constant 0 : i32
    %c0_i32_0 = arith.constant 0 : i32
    return %arg0, %c0_i32 : i32, i32
  }
}

</mosaic_0001>

<sc_bundles>
// kernel: kernel.6.cloned.1.call-start
scs
__scs_entry_jumppad:
0x0: {  	(pc) =	sbr.rel $0x88, $3  }
0x1: {  	(tag) =	ssettag $0x0;
	lr =	simm.s32 $0x1  }
0x2: {  	[smem:$0x3F9B] =	sst lr;
	_ =	strace $0xD0000000  }
0x3: {  	_ = 	snop  }
0x4: {  	_ = 	snop  }
0x5: {  	_ = 	snop  }
0x6: {  	_ = 	snop  }
0x7: {  	_ = 	snop  }
__scs_overlays_trampoline_lowered:
0x8: {  	[smem:$0x3FAA] =	sst s0  }
0x9: {  	[smem:$0x3FAB] =	sst s1  }
0xa: {  	[smem:$0x3FAC] =	sst s2  }
0xb: {  	[smem:$0x3FAD] =	sst s3  }
0xc: {  	[smem:$0x3FAE] =	sst s4  }
0xd: {  	[smem:$0x3FAF] =	sst s5  }
0xe: {  	[smem:$0x3FB0] =	sst s6  }
0xf: {  	[smem:$0x3FB1] =	sst s7  }
0x10: {  	[smem:$0x3FB2] =	sst s8  }
0x11: {  	[smem:$0x3FB3] =	sst s9;
	s0 =	simm.s32 @!p0 $0x0  }
0x12: {  	s1 =	sld [smem:$0x3F99];
	s0 =	simm.s32 @p0 $0x1  }
0x13: {  	[smem:$0x3FB4] =	sst s0;
	s0 =	simm.s32 @!p1 $0x0  }
0x14: {  	s2 =	sld [smem:$0x3F98];
	s0 =	simm.s32 @p1 $0x1  }
0x15: {  	[smem:$0x3FB5] =	sst s0;
	s0 =	simm.s32 @!p2 $0x0  }
0x16: {  	s3 =	sld [smem:$0x3FDB];
	s0 =	simm.s32 @p2 $0x1  }
0x17: {  	s4 =	simm.s32 $0x1BF5;
	[smem:$0x3FB7] =	sst s0  }
0x18: {  	s0 =	sld [smem:$0x3F9A];
	_ =	swait.ge [sflag:s4], $0x0  }
0x19: {  	s7 =	sld [smem:$0x3F9B]  }
0x1a: {  	s8 =	sadd.s32 $0xFFFFE003, lr  }
0x1b: {  	s9 =	sadd.s32 $0xFFFFFEF7, lr;
	s5 =	simm.s32 $0xFFFFFFFF;
	p2 =	slt.u32 s8, $0xFFFFF086  }
0x1c: {  	p1 =	slt.u32 s9, $0xF7A;
	s5 =	simm.s32 @!p2 $0x0  }
0x1d: {  	s5 =	simm.s32 @p1 $0x1;
	p0 =	seq.s32 s7, s2  }
0x1e: {  	s7 =	smul.u32 @!p0 $0xF7A, s2;
	p2 =	seq.s32 @!p0 s5, $0x0  }
0x1f: {  	s9 =	smul.u32 $0xF7A, s1;
	s8 =	simm.s32 @!p0 $0x1BF5;
	p2 =	por !p2, p0  }
0x20: {  	[sflag:s8] =	ssyncset.s32 @!p0 $0xFFFFF086;
	s6 =	sadd.s32 @!p0 s3, s7;
	s7 =	simm.s32 @!p0 $0x108  }
0x21: {  	s3 =	sadd.s32 s3, s9;
	s6 =	sadd.s32 @!p0 $0x88, s6;
	s7 =	simm.s32 @p2 $0x1082  }
0x22: {  	[simem:s7], [sflag:s8] =	dma.local @!p0 [hbm:s6], $0xF7A  }
0x23: {  	s9 =	sor.u32 $0xD0000000, s2;
	s6 =	simm.s32 $0x108;
	_ =	swait.ge @!p0 [sflag:s8], $0x0  }
0x24: {  	s3 =	sadd.s32 $0x88, s3;
	s6 =	simm.s32 @!p1 $0x1082;
	[sflag:s4] =	ssyncset.s32 $0xFFFFF086  }
0x25: {  	[simem:s6], [sflag:s4] =	dma.local [hbm:s3], $0xF7A  }
0x26: {  	[smem:$0x3F9B] =	sst s1;
	(tag) =	ssettag s2;
	_ =	strace s9  }
0x27: {  	s1 =	sld [smem:$0x3FAB]  }
0x28: {  	s2 =	sld [smem:$0x3FAC]  }
0x29: {  	s4 =	sld [smem:$0x3FAE]  }
0x2a: {  	p0 =	seq.s32 s5, $0x0;
	s5 =	sld [smem:$0x3FAF]  }
0x2b: {  	s6 =	sld [smem:$0x3FB0]  }
0x2c: {  	s7 =	sld [smem:$0x3FB1]  }
0x2d: {  	s3 =	simm.s32 $0x108;
	s8 =	sld [smem:$0x3FB2]  }
0x2e: {  	s3 =	simm.s32 @!p0 $0x1082;
	s9 =	sld [smem:$0x3FB3]  }
0x2f: {  	lr =	sadd.s32 s0, s3;
	s0 =	sld [smem:$0x3FAA]  }
0x30: {  	s3 =	sld [smem:$0x3FAD]  }
0x31: {  	[smem:$0x3FB6] =	sst s10  }
0x32: {  	s10 =	sld [smem:$0x3FB4];
	_ =	sdelay $0x3  }
0x33: {  	p0 =	seq.s32 s10, $0x1;
	s10 =	sld [smem:$0x3FB6];
	_ =	sdelay $0x3  }
0x34: {  	[smem:$0x3FB6] =	sst s10  }
0x35: {  	s10 =	sld [smem:$0x3FB5];
	_ =	sdelay $0x3  }
0x36: {  	p1 =	seq.s32 s10, $0x1;
	s10 =	sld [smem:$0x3FB6];
	_ =	sdelay $0x3  }
0x37: {  	[smem:$0x3FB6] =	sst s10  }
0x38: {  	s10 =	sld [smem:$0x3FB7]  }
0x39: {  	_ = 	snop;
	(pc) =	sbr.ind lr, $3  }
0x3a: {  	_ = 	snop  }
0x3b: {  	_ = 	snop  }
0x3c: {  	p2 =	seq.s32 s10, $0x1;
	s10 =	sld [smem:$0x3FB6]  }
0x3d: {  	_ =	shalt  }
0x3e: {  	_ =	shalt  }
0x3f: {  	_ =	shalt  }
0x40: {  	_ =	shalt  }
0x41: {  	_ =	shalt  }
0x42: {  	_ =	shalt  }
0x43: {  	_ =	shalt  }
0x44: {  	_ =	shalt  }
0x45: {  	_ =	shalt  }
0x46: {  	_ =	shalt  }
0x47: {  	_ =	shalt  }
0x48: {  	_ =	shalt  }
0x49: {  	_ =	shalt  }
0x4a: {  	_ =	shalt  }
0x4b: {  	_ =	shalt  }
0x4c: {  	_ =	shalt  }
0x4d: {  	_ =	shalt  }
0x4e: {  	_ =	shalt  }
0x4f: {  	_ =	shalt  }
0x50: {  	_ =	shalt  }
0x51: {  	_ =	shalt  }
0x52: {  	_ =	shalt  }
0x53: {  	_ =	shalt  }
0x54: {  	_ =	shalt  }
0x55: {  	_ =	shalt  }
0x56: {  	_ =	shalt  }
0x57: {  	_ =	shalt  }
0x58: {  	_ =	shalt  }
0x59: {  	_ =	shalt  }
0x5a: {  	_ =	shalt  }
0x5b: {  	_ =	shalt  }
0x5c: {  	_ =	shalt  }
0x5d: {  	_ =	shalt  }
0x5e: {  	_ =	shalt  }
0x5f: {  	_ =	shalt  }
0x60: {  	_ =	shalt  }
0x61: {  	_ =	shalt  }
0x62: {  	_ =	shalt  }
0x63: {  	_ =	shalt  }
0x64: {  	_ =	shalt  }
0x65: {  	_ =	shalt  }
0x66: {  	_ =	shalt  }
0x67: {  	_ =	shalt  }
0x68: {  	_ =	shalt  }
0x69: {  	_ =	shalt  }
0x6a: {  	_ =	shalt  }
0x6b: {  	_ =	shalt  }
0x6c: {  	_ =	shalt  }
0x6d: {  	_ =	shalt  }
0x6e: {  	_ =	shalt  }
0x6f: {  	_ =	shalt  }
0x70: {  	_ =	shalt  }
0x71: {  	_ =	shalt  }
0x72: {  	_ =	shalt  }
0x73: {  	_ =	shalt  }
0x74: {  	_ =	shalt  }
0x75: {  	_ =	shalt  }
0x76: {  	_ =	shalt  }
0x77: {  	_ =	shalt  }
0x78: {  	_ =	shalt  }
0x79: {  	_ =	shalt  }
0x7a: {  	_ =	shalt  }
0x7b: {  	_ =	shalt  }
0x7c: {  	_ =	shalt  }
0x7d: {  	_ =	shalt  }
0x7e: {  	_ =	shalt  }
0x7f: {  	_ =	shalt  }
0x80: {  	_ =	shalt  }
0x81: {  	_ =	shalt  }
0x82: {  	_ =	shalt  }
0x83: {  	_ =	shalt  }
0x84: {  	_ =	shalt  }
0x85: {  	_ =	shalt  }
0x86: {  	_ =	shalt  }
0x87: {  	_ =	shalt  }
.Lfunc_end0:
.L_simem_size_0:
called_computation_lowered:
.L_overlay_start_0:
0x88: {  	s2 =	sld [smem:$0x3FD9]  }
0x89: {  	s3 =	sld [smem:$0x3FFE];
	_ =	sdelay $0x1  }
0x8a: {  	s1 =	srdreg.scid  }
0x8b: {  	s0 =	sand.u32 $0x1, s1  }
0x8c: {  	s17 =	sshll.u32 s0, $0xA;
	s2 =	sadd.s32 s3, s2  }
0x8d: {  	s2 =	sadd.s32 s2, s17  }
0x8e: {  	[smem:$0x3FC2] =	sst s2  }
0x8f: {  	_ = 	snop  }
0x90: {  	s2 =	sld [smem:$0x3FD0];
	(tm) =	ssettm $0x1  }
0x91: {  	s18 =	sld [smem:$0x3FFB];
	_ =	sdelay $0x3  }
0x92: {  	_ =	strace s18  }
0x93: {  	s3 =	sld [smem:$0x3FFC];
	_ =	sdelay $0x3  }
0x94: {  	_ =	strace s3  }
0x95: {  	s3 =	sld [smem:$0x3FFD];
	_ =	sdelay $0x3  }
0x96: {  	_ =	strace s3  }
0x97: {  	_ =	strace $0x8FFFFFFF  }
0x98: {  	s19 =	sld [smem:$0x3FDB];
	_ =	sdelay $0x1  }
0x99: {  	s4 =	simm.s32 $_scs_section_size  }
0x9a: {  	s5 =	simm.s32 $_size__tile_overlayer_lowered;
	s6 =	simm.s32 $_tile_overlayer_lowered  }
0x9b: {  	s22 =	simm.s32 $0x1BFF;
	s21 =	sshll.u32 s6, $0x1;
	s3 =	sadd.s32 s4, s19  }
0x9c: {  	s7 =	simm.s32 $0x0;
	s20 =	sshll.u32 s5, $0x1;
	s5 =	sadd.s32 s21, s3  }
0x9d: {  	[timem:s7], [sflag:s22] =	dma.local [hbm:s5], s20  }
0x9e: {  	_ =	swait.ge [sflag:s22], s20  }
0x9f: {  	s4 =	ssub.s32 $0x0, s20;
	[sflag:s22] =	ssyncset.done $0x0  }
0xa0: {  	[sflag:s22] =	ssyncadd.s32 s4;
	_ =	sdelay $0x1  }
0xa1: {  	s23 =	simm.s32 $0x1B8B  }
0xa2: {  	_ =	swait.ge [sflag:s23], $0x1  }
0xa3: {  	[sflag:s23] =	ssyncset.done $0x0  }
0xa4: {  	s25 =	simm.s32 $0x1B8E;
	s24 =	sld [smem:$0x3FFE];
	[sflag:s23] =	ssyncadd.s32 $0xFFFFFFFF  }
0xa5: {  	s26 =	simm.s32 $execute0_lowered;
	[smem:$0x3FD2] =	sst s25  }
0xa6: {  	s5 =	sshll.u32 s26, $0x1;
	_ =	strace $0x80000046;
	[dreg:$0x1] =	wrdreg $0xFFFFFFFF  }
0xa7: {  	s28 =	simm.s32 $_size_execute0_lowered;
	s3 =	sadd.s32 s3, s5;
	[dreg:$0x0] =	wrdreg $0x0  }
0xa8: {  	s5 =	sshll.u32 s28, $0x1;
	[dreg:$0x2] =	wrdreg s3  }
0xa9: {  	[dreg:$0x3] =	wrdreg s5  }
0xaa: {  	[dreg:$0x4] =	wrdreg $0xC0  }
0xab: {  	_ =	task [dreg:s7], $0x5FFFF  }
0xac: {  	[dreg:$0x1] =	wrdreg $0xFFFFFFFF  }
0xad: {  	[dreg:$0x0] =	wrdreg $0x60  }
0xae: {  	[dreg:$0x2] =	wrdreg s2  }
0xaf: {  	[dreg:$0x3] =	wrdreg s24  }
0xb0: {  	[dreg:$0x4] =	wrdreg $0x0  }
0xb1: {  	[dreg:$0x5] =	wrdreg $0x9  }
0xb2: {  	_ =	task.clear_ibuf [dreg:s7], $0x6FFFF;
	_ =	strace $0x90000046  }
0xb3: {  	s29 =	simm.s32 $0x9;
	_ =	strace $0x80000048  }
0xb4: {  	_ =	swait.ge [sflag:s29], $0x1  }
0xb5: {  	[sflag:s29] =	ssyncadd.s32 $0xFFFFFFFF  }
0xb6: {  	_ =	strace $0x90000048  }
0xb7: {  	_ =	sfence  }
0xb8: {  	s30 =	sld [smem:$0x0];
	_ =	sdelay $0x2  }
0xb9: {  	s31 =	sshll.u32 s1, $0xD;
	s1 =	sshrl.u32 s1, $0x2  }
0xba: {  	s3 =	sand.u32 $0x4000, s31;
	s1 =	sadd.s32 s1, s30  }
0xbb: {  	s0 =	sor.u32 s3, s0;
	s1 =	sshll.u32 s1, $0x11  }
0xbc: {  	s0 =	sor.u32 s1, s0  }
0xbd: {  	s0 =	sadd.s32 $0x8F2B, s0  }
0xbe: {  	[sflag:s0] =	ssyncadd.remote.s32 $0x1  }
0xbf: {  	_ =	sfence.sel $0xFFFF  }
0xc0: {  	[dreg:$0x0] =	wrdreg $0xFFFFFFFF;
	(pc) =	sbr.abs _section_cstart, $3  }
0xc1: {  	[dreg:$0x1] =	wrdreg $0xFFFFFFFF  }
0xc2: {  	_ =	task.clear_ibuf [dreg:s7], $0x2FFFF;
	_ =	strace $0x9FFFFFFF  }
0xc3: {  	(tm) =	ssettm $0x7FFFFFFF  }
tec
execute0_lowered:
.L_overlay_start_1:
0x0: {  	(tag) =	ssettag $0x1  }
0x1: {  	s9 =	rddreg [dreg:$0x0]  }
0x2: {  	s1 =	srdreg.scid;
	s4 =	rddreg [dreg:$0x1]  }
0x3: {  	s0 =	stileid.u32;
	s2 =	rddreg [dreg:$0x2]  }
0x4: {  	s3 =	simm.s32 $0x0;
	s13 =	simm.s32 $0x1;
	s14 =	simm.s32 $0x280  }
0x5: {  	s15 =	simm.s32 $0x80;
	s16 =	simm.s32 $0x2A80;
	s19 =	simm.s32 $0x0  }
0x6: {  	s5 =	sand.u32 $0x1, s1;
	s6 =	smul.u32 $0x280, s0;
	s1 =	rddreg [dreg:$0x3]  }
0x7: {  	[smem:$0x7FF] =	sst s3;
	s8 =	sshll.u32 s0, $0x1;
	s17 =	sshll.u32 s0, $0x6  }
0x8: {  	s7 =	smul.u32 $0x2800, s5;
	s30 =	ssub.s32 $0x2, s5;
	s31 =	sor.u32 s5, s8  }
0x9: {  	_ =	strace $0x80000047;
	s11 =	sshrl.u32 s30, $0x1;
	s12 =	smul.u32 $0x500, s31  }
0xa: {  	s17 =	sor.u32 $0x1C01, s17;
	s7 =	sadd.s32 s6, s7;
	s11 =	ssub.s32 s30, s11  }
0xb: {  	s7 =	sshrl.u32 s7, $0x3;
	s9 =	sadd.s32 s9, s12;
	s11 =	smax.u32 s11, $0x1  }
0xc: {  	s12 =	simm.s32 $0x2B00;
	s10 =	sadd.s32 s7, s4;
	s4 =	sadd.s32 s6, s2  }
0xd: {  	s5 =	sadd.s32 $0x80, s4;
	s6 =	sadd.s32 $0x100, s4;
	s7 =	sadd.s32 $0x180, s4  }
0xe: {  	v0 =	vimm.f32 $1.000000000e+00;
	v1 =	vimm.f32 $0.0e+00;
	s8 =	sadd.s32 $0x200, s4;
	s10 =	sadd.s32 $0x1600, s10;
	s18 =	sshrl.u32 s4, $0x3  }
.LBB2_1:
0xf: {  	[tilespmem:$0x2A80] =	vst v0  }
0x10: {  	[tilespmem:$0x2B00] =	vst v1  }
0x11: {  	[tilespmem:$0x2A90] =	vst v0  }
0x12: {  	[tilespmem:$0x2B10] =	vst v1  }
0x13: {  	[tilespmem:$0x2AA0] =	vst v0  }
0x14: {  	[tilespmem:$0x2B20] =	vst v1  }
0x15: {  	[tilespmem:$0x2AB0] =	vst v0  }
0x16: {  	[tilespmem:$0x2B30] =	vst v1  }
0x17: {  	[tilespmem:$0x2AC0] =	vst v0  }
0x18: {  	[tilespmem:$0x2B40] =	vst v1  }
0x19: {  	[tilespmem:$0x2AD0] =	vst v0  }
0x1a: {  	[tilespmem:$0x2B50] =	vst v1  }
0x1b: {  	[tilespmem:$0x2AE0] =	vst v0  }
0x1c: {  	[tilespmem:$0x2B60] =	vst v1  }
0x1d: {  	[tilespmem:$0x2AF0] =	vst v0  }
0x1e: {  	[tilespmem:$0x2B70] =	vst v1  }
0x1f: {  	[spmem:s4] =	stream.linear.scatter [tilespmem:s12], [sflag:$0x1], $0x80, $0x38;
	[tilespmem:$0x2B80] =	vst v63  }
0x20: {  	_ =	swait.ge [sflag:s13], $0x80  }
0x21: {  	[sflag:s13] =	ssyncset.done $0x0  }
0x22: {  	[sflag:s13] =	ssyncadd.s32 $0xFFFFFF80  }
0x23: {  	[spmem:s5] =	stream.linear.scatter [tilespmem:s12], [sflag:$0x1], $0x80, $0x38;
	[tilespmem:$0x2B80] =	vst v63  }
0x24: {  	_ =	swait.ge [sflag:s13], $0x80  }
0x25: {  	[sflag:s13] =	ssyncset.done $0x0  }
0x26: {  	[sflag:s13] =	ssyncadd.s32 $0xFFFFFF80  }
0x27: {  	[spmem:s6] =	stream.linear.scatter [tilespmem:s12], [sflag:$0x1], $0x80, $0x38;
	[tilespmem:$0x2B80] =	vst v63  }
0x28: {  	_ =	swait.ge [sflag:s13], $0x80  }
0x29: {  	[sflag:s13] =	ssyncset.done $0x0  }
0x2a: {  	[sflag:s13] =	ssyncadd.s32 $0xFFFFFF80  }
0x2b: {  	[spmem:s7] =	stream.linear.scatter [tilespmem:s12], [sflag:$0x1], $0x80, $0x38;
	[tilespmem:$0x2B80] =	vst v63  }
0x2c: {  	_ =	swait.ge [sflag:s13], $0x80  }
0x2d: {  	[sflag:s13] =	ssyncset.done $0x0  }
0x2e: {  	[sflag:s13] =	ssyncadd.s32 $0xFFFFFF80  }
0x2f: {  	[spmem:s8] =	stream.linear.scatter [tilespmem:s12], [sflag:$0x1], $0x80, $0x38;
	[tilespmem:$0x2B80] =	vst v63  }
0x30: {  	_ =	swait.ge [sflag:s13], $0x80  }
0x31: {  	[sflag:s13] =	ssyncset.done $0x0  }
0x32: {  	[sflag:s13] =	ssyncadd.s32 $0xFFFFFF80  }
0x33: {  	[tilespmem:s14], [sflag:$0x1] =	stream.linear.gather [hbm4b:s9+s3], $0x2800, $0x38;
	[tilespmem:$0x2B80] =	vst v63  }
0x34: {  	_ =	swait.ge [sflag:s13], $0x2800  }
0x35: {  	[sflag:s13] =	ssyncset.done $0x0  }
0x36: {  	[sflag:s13] =	ssyncadd.s32 $0xFFFFD800  }
0x37: {  	s20 =	simm.s32 $0x280;
	[bflag:$0x0] =	sbarrier.arrive $0xFFFF  }
0x38: {  	[spmem:s2] =	stream.indirect.scatter.add.f32 [tilespmem:s16], [sflag:$0x1], $0x1, s20, s15, $0xb8;
	[tilespmem:$0x2B80] =	vst v63  }
0x39: {  	s20 =	simm.s32 $0x200;
	_ =	swait.ge [sflag:s13], $0x80  }
.LBB2_2:
0x3a: {  	s21 =	sshra.s32 s20, $0x2;
	[sflag:s13] =	ssyncset.done $0x0;
	p0 =	sne.s32 s20, $0x9E00  }
.Ltmp0:
0x3b: {  	s21 =	sadd.s32 $0x280, s21;
	[sflag:s13] =	ssyncadd.s32 $0xFFFFFF80;
	(pc) =	sbr.rel @p0 .LBB2_2-.Ltmp0, $3  }
0x3c: {  	[spmem:s2] =	stream.indirect.scatter.add.f32 [tilespmem:s16], [sflag:$0x1], $0x1, s21, s15, $0xb8;
	[tilespmem:$0x2B80] =	vst v63  }
0x3d: {  	s20 =	sadd.s32 $0x200, s20;
	_ =	sdelay $0x1  }
0x3e: {  	_ =	swait.ge [sflag:s13], $0x80  }
0x3f: {  	[sflag:s13] =	ssyncset.done $0x0;
	s19 =	sadd.s32 $0x1, s19  }
0x40: {  	[sflag:s13] =	ssyncadd.s32 $0xFFFFFF80;
	p0 =	sne.s32 s19, s11  }
.Ltmp1:
0x41: {  	[bflag:$0x0] =	sbarrier.arrive $0xFFFF;
	(pc) =	sbr.rel @p0 .LBB2_1-.Ltmp1, $4  }
0x42: {  	[hbm:s10], [sflag:s17] =	dma.local [spmem:s18], $0x50  }
0x43: {  	_ =	swait.ge [sflag:s13], $0x50  }
0x44: {  	[sflag:s13] =	ssyncset.done $0x0  }
0x45: {  	[sflag:s13] =	ssyncadd.s32 $0xFFFFFFB0  }
0x46: {  	_ =	sfence.sel $0x180000  }
0x47: {  	[bflag:$0x0] =	sbarrier.arrive $0xFFFF  }
0x48: {  	p0 =	sne.s32 s0, $0x0;
	_ =	strace $0x90000047  }
0x49: {  	s0 =	sadd.s32 @!p0 $0x100000, s1;
	[bflag:$0x2] =	sbarrier.arrive $0xFFFF  }
0x4a: {  	[sflag:s0] =	ssyncadd.tile.s32 @!p0 $0x1;
	_ =	shalt  }
.Lfunc_end2:
_tile_overlayer_lowered:
.L_overlay_start_2:
0x4b: {  	(tag) =	ssettag $0x2  }
0x4c: {  	s0 =	rddreg [dreg:$0x0];
	s2 =	stileid.u32  }
0x4d: {  	s1 =	rddreg [dreg:$0x1];
	p0 =	sne.s32 s2, $0x0  }
0x4e: {  	s3 =	rddreg [dreg:$0x2];
	[bflag:$0x3] =	sbarrier.arrive $0xFFFF;
	s2 =	simm.s32 @!p0 $0x1C01  }
0x4f: {  	[timem:s3], [sflag:s2] =	dma.local @!p0 [hbm:s0], s1  }
0x50: {  	s0 =	simm.s32 @!p0 $0x1  }
0x51: {  	_ =	swait.ge @!p0 [sflag:s0], s1  }
0x52: {  	s1 =	ssub.s32 @!p0 $0x0, s1;
	[sflag:s0] =	ssyncset.done @!p0 $0x0  }
0x53: {  	[sflag:s0] =	ssyncadd.s32 @!p0 s1  }
0x54: {  	[bflag:$0x3] =	sbarrier.arrive $0xFFFF  }
0x55: {  	_ =	shalt  }

// kernel: kernel.9.cloned.1.call-start
scs
__scs_entry_jumppad:
0x0: {  	(pc) =	sbr.rel $0x88, $3  }
0x1: {  	(tag) =	ssettag $0x0;
	lr =	simm.s32 $0x1  }
0x2: {  	[smem:$0x3F9B] =	sst lr;
	_ =	strace $0xD0000000  }
0x3: {  	_ = 	snop  }
0x4: {  	_ = 	snop  }
0x5: {  	_ = 	snop  }
0x6: {  	_ = 	snop  }
0x7: {  	_ = 	snop  }
__scs_overlays_trampoline_lowered:
0x8: {  	[smem:$0x3FAA] =	sst s0  }
0x9: {  	[smem:$0x3FAB] =	sst s1  }
0xa: {  	[smem:$0x3FAC] =	sst s2  }
0xb: {  	[smem:$0x3FAD] =	sst s3  }
0xc: {  	[smem:$0x3FAE] =	sst s4  }
0xd: {  	[smem:$0x3FAF] =	sst s5  }
0xe: {  	[smem:$0x3FB0] =	sst s6  }
0xf: {  	[smem:$0x3FB1] =	sst s7  }
0x10: {  	[smem:$0x3FB2] =	sst s8  }
0x11: {  	[smem:$0x3FB3] =	sst s9;
	s0 =	simm.s32 @!p0 $0x0  }
0x12: {  	s1 =	sld [smem:$0x3F99];
	s0 =	simm.s32 @p0 $0x1  }
0x13: {  	[smem:$0x3FB4] =	sst s0;
	s0 =	simm.s32 @!p1 $0x0  }
0x14: {  	s2 =	sld [smem:$0x3F98];
	s0 =	simm.s32 @p1 $0x1  }
0x15: {  	[smem:$0x3FB5] =	sst s0;
	s0 =	simm.s32 @!p2 $0x0  }
0x16: {  	s3 =	sld [smem:$0x3FDB];
	s0 =	simm.s32 @p2 $0x1  }
0x17: {  	s4 =	simm.s32 $0x1BF5;
	[smem:$0x3FB7] =	sst s0  }
0x18: {  	s0 =	sld [smem:$0x3F9A];
	_ =	swait.ge [sflag:s4], $0x0  }
0x19: {  	s7 =	sld [smem:$0x3F9B]  }
0x1a: {  	s8 =	sadd.s32 $0xFFFFE003, lr  }
0x1b: {  	s9 =	sadd.s32 $0xFFFFFEF7, lr;
	s5 =	simm.s32 $0xFFFFFFFF;
	p2 =	slt.u32 s8, $0xFFFFF086  }
0x1c: {  	p1 =	slt.u32 s9, $0xF7A;
	s5 =	simm.s32 @!p2 $0x0  }
0x1d: {  	s5 =	simm.s32 @p1 $0x1;
	p0 =	seq.s32 s7, s2  }
0x1e: {  	s7 =	smul.u32 @!p0 $0xF7A, s2;
	p2 =	seq.s32 @!p0 s5, $0x0  }
0x1f: {  	s9 =	smul.u32 $0xF7A, s1;
	s8 =	simm.s32 @!p0 $0x1BF5;
	p2 =	por !p2, p0  }
0x20: {  	[sflag:s8] =	ssyncset.s32 @!p0 $0xFFFFF086;
	s6 =	sadd.s32 @!p0 s3, s7;
	s7 =	simm.s32 @!p0 $0x108  }
0x21: {  	s3 =	sadd.s32 s3, s9;
	s6 =	sadd.s32 @!p0 $0x88, s6;
	s7 =	simm.s32 @p2 $0x1082  }
0x22: {  	[simem:s7], [sflag:s8] =	dma.local @!p0 [hbm:s6], $0xF7A  }
0x23: {  	s9 =	sor.u32 $0xD0000000, s2;
	s6 =	simm.s32 $0x108;
	_ =	swait.ge @!p0 [sflag:s8], $0x0  }
0x24: {  	s3 =	sadd.s32 $0x88, s3;
	s6 =	simm.s32 @!p1 $0x1082;
	[sflag:s4] =	ssyncset.s32 $0xFFFFF086  }
0x25: {  	[simem:s6], [sflag:s4] =	dma.local [hbm:s3], $0xF7A  }
0x26: {  	[smem:$0x3F9B] =	sst s1;
	(tag) =	ssettag s2;
	_ =	strace s9  }
0x27: {  	s1 =	sld [smem:$0x3FAB]  }
0x28: {  	s2 =	sld [smem:$0x3FAC]  }
0x29: {  	s4 =	sld [smem:$0x3FAE]  }
0x2a: {  	p0 =	seq.s32 s5, $0x0;
	s5 =	sld [smem:$0x3FAF]  }
0x2b: {  	s6 =	sld [smem:$0x3FB0]  }
0x2c: {  	s7 =	sld [smem:$0x3FB1]  }
0x2d: {  	s3 =	simm.s32 $0x108;
	s8 =	sld [smem:$0x3FB2]  }
0x2e: {  	s3 =	simm.s32 @!p0 $0x1082;
	s9 =	sld [smem:$0x3FB3]  }
0x2f: {  	lr =	sadd.s32 s0, s3;
	s0 =	sld [smem:$0x3FAA]  }
0x30: {  	s3 =	sld [smem:$0x3FAD]  }
0x31: {  	[smem:$0x3FB6] =	sst s10  }
0x32: {  	s10 =	sld [smem:$0x3FB4];
	_ =	sdelay $0x3  }
0x33: {  	p0 =	seq.s32 s10, $0x1;
	s10 =	sld [smem:$0x3FB6];
	_ =	sdelay $0x3  }
0x34: {  	[smem:$0x3FB6] =	sst s10  }
0x35: {  	s10 =	sld [smem:$0x3FB5];
	_ =	sdelay $0x3  }
0x36: {  	p1 =	seq.s32 s10, $0x1;
	s10 =	sld [smem:$0x3FB6];
	_ =	sdelay $0x3  }
0x37: {  	[smem:$0x3FB6] =	sst s10  }
0x38: {  	s10 =	sld [smem:$0x3FB7]  }
0x39: {  	_ = 	snop;
	(pc) =	sbr.ind lr, $3  }
0x3a: {  	_ = 	snop  }
0x3b: {  	_ = 	snop  }
0x3c: {  	p2 =	seq.s32 s10, $0x1;
	s10 =	sld [smem:$0x3FB6]  }
0x3d: {  	_ =	shalt  }
0x3e: {  	_ =	shalt  }
0x3f: {  	_ =	shalt  }
0x40: {  	_ =	shalt  }
0x41: {  	_ =	shalt  }
0x42: {  	_ =	shalt  }
0x43: {  	_ =	shalt  }
0x44: {  	_ =	shalt  }
0x45: {  	_ =	shalt  }
0x46: {  	_ =	shalt  }
0x47: {  	_ =	shalt  }
0x48: {  	_ =	shalt  }
0x49: {  	_ =	shalt  }
0x4a: {  	_ =	shalt  }
0x4b: {  	_ =	shalt  }
0x4c: {  	_ =	shalt  }
0x4d: {  	_ =	shalt  }
0x4e: {  	_ =	shalt  }
0x4f: {  	_ =	shalt  }
0x50: {  	_ =	shalt  }
0x51: {  	_ =	shalt  }
0x52: {  	_ =	shalt  }
0x53: {  	_ =	shalt  }
0x54: {  	_ =	shalt  }
0x55: {  	_ =	shalt  }
0x56: {  	_ =	shalt  }
0x57: {  	_ =	shalt  }
0x58: {  	_ =	shalt  }
0x59: {  	_ =	shalt  }
0x5a: {  	_ =	shalt  }
0x5b: {  	_ =	shalt  }
0x5c: {  	_ =	shalt  }
0x5d: {  	_ =	shalt  }
0x5e: {  	_ =	shalt  }
0x5f: {  	_ =	shalt  }
0x60: {  	_ =	shalt  }
0x61: {  	_ =	shalt  }
0x62: {  	_ =	shalt  }
0x63: {  	_ =	shalt  }
0x64: {  	_ =	shalt  }
0x65: {  	_ =	shalt  }
0x66: {  	_ =	shalt  }
0x67: {  	_ =	shalt  }
0x68: {  	_ =	shalt  }
0x69: {  	_ =	shalt  }
0x6a: {  	_ =	shalt  }
0x6b: {  	_ =	shalt  }
0x6c: {  	_ =	shalt  }
0x6d: {  	_ =	shalt  }
0x6e: {  	_ =	shalt  }
0x6f: {  	_ =	shalt  }
0x70: {  	_ =	shalt  }
0x71: {  	_ =	shalt  }
0x72: {  	_ =	shalt  }
0x73: {  	_ =	shalt  }
0x74: {  	_ =	shalt  }
0x75: {  	_ =	shalt  }
0x76: {  	_ =	shalt  }
0x77: {  	_ =	shalt  }
0x78: {  	_ =	shalt  }
0x79: {  	_ =	shalt  }
0x7a: {  	_ =	shalt  }
0x7b: {  	_ =	shalt  }
0x7c: {  	_ =	shalt  }
0x7d: {  	_ =	shalt  }
0x7e: {  	_ =	shalt  }
0x7f: {  	_ =	shalt  }
0x80: {  	_ =	shalt  }
0x81: {  	_ =	shalt  }
0x82: {  	_ =	shalt  }
0x83: {  	_ =	shalt  }
0x84: {  	_ =	shalt  }
0x85: {  	_ =	shalt  }
0x86: {  	_ =	shalt  }
0x87: {  	_ =	shalt  }
.Lfunc_end0:
.L_simem_size_0:
called_computation.1_lowered:
.L_overlay_start_0:
0x88: {  	s2 =	sld [smem:$0x3FD9]  }
0x89: {  	s3 =	sld [smem:$0x3FFE];
	_ =	sdelay $0x1  }
0x8a: {  	s1 =	srdreg.scid  }
0x8b: {  	s0 =	sand.u32 $0x1, s1  }
0x8c: {  	s17 =	sshll.u32 s0, $0xA;
	s2 =	sadd.s32 s3, s2  }
0x8d: {  	s2 =	sadd.s32 s2, s17  }
0x8e: {  	[smem:$0x3FC2] =	sst s2  }
0x8f: {  	_ = 	snop  }
0x90: {  	s2 =	sld [smem:$0x3FD0];
	(tm) =	ssettm $0x1  }
0x91: {  	s18 =	sld [smem:$0x3FFB];
	_ =	sdelay $0x3  }
0x92: {  	_ =	strace s18  }
0x93: {  	s3 =	sld [smem:$0x3FFC];
	_ =	sdelay $0x3  }
0x94: {  	_ =	strace s3  }
0x95: {  	s3 =	sld [smem:$0x3FFD];
	_ =	sdelay $0x3  }
0x96: {  	_ =	strace s3  }
0x97: {  	_ =	strace $0x8FFFFFFF  }
0x98: {  	s19 =	sld [smem:$0x3FDB];
	_ =	sdelay $0x1  }
0x99: {  	s4 =	simm.s32 $_scs_section_size  }
0x9a: {  	s5 =	simm.s32 $_size__tile_overlayer_lowered;
	s6 =	simm.s32 $_tile_overlayer_lowered  }
0x9b: {  	s22 =	simm.s32 $0x1BFF;
	s21 =	sshll.u32 s6, $0x1;
	s3 =	sadd.s32 s4, s19  }
0x9c: {  	s7 =	simm.s32 $0x0;
	s20 =	sshll.u32 s5, $0x1;
	s5 =	sadd.s32 s21, s3  }
0x9d: {  	[timem:s7], [sflag:s22] =	dma.local [hbm:s5], s20  }
0x9e: {  	_ =	swait.ge [sflag:s22], s20  }
0x9f: {  	s4 =	ssub.s32 $0x0, s20;
	[sflag:s22] =	ssyncset.done $0x0  }
0xa0: {  	[sflag:s22] =	ssyncadd.s32 s4;
	_ =	sdelay $0x1  }
0xa1: {  	s23 =	simm.s32 $0x1B8B  }
0xa2: {  	_ =	swait.ge [sflag:s23], $0x1  }
0xa3: {  	[sflag:s23] =	ssyncset.done $0x0  }
0xa4: {  	s25 =	simm.s32 $0x1B8E;
	s24 =	sld [smem:$0x3FFE];
	[sflag:s23] =	ssyncadd.s32 $0xFFFFFFFF  }
0xa5: {  	s26 =	simm.s32 $execute0_lowered;
	[smem:$0x3FD2] =	sst s25  }
0xa6: {  	s5 =	sshll.u32 s26, $0x1;
	_ =	strace $0x80000049;
	[dreg:$0x1] =	wrdreg $0xFFFFFFFF  }
0xa7: {  	s28 =	simm.s32 $_size_execute0_lowered;
	s3 =	sadd.s32 s3, s5;
	[dreg:$0x0] =	wrdreg $0x0  }
0xa8: {  	s5 =	sshll.u32 s28, $0x1;
	[dreg:$0x2] =	wrdreg s3  }
0xa9: {  	[dreg:$0x3] =	wrdreg s5  }
0xaa: {  	[dreg:$0x4] =	wrdreg $0xC0  }
0xab: {  	_ =	task [dreg:s7], $0x5FFFF  }
0xac: {  	[dreg:$0x1] =	wrdreg $0xFFFFFFFF  }
0xad: {  	[dreg:$0x0] =	wrdreg $0x60  }
0xae: {  	[dreg:$0x2] =	wrdreg s24  }
0xaf: {  	[dreg:$0x3] =	wrdreg s2  }
0xb0: {  	[dreg:$0x4] =	wrdreg $0x0  }
0xb1: {  	[dreg:$0x5] =	wrdreg $0x9  }
0xb2: {  	_ =	task.clear_ibuf [dreg:s7], $0x6FFFF;
	_ =	strace $0x90000049  }
0xb3: {  	s29 =	simm.s32 $0x9;
	_ =	strace $0x8000004B  }
0xb4: {  	_ =	swait.ge [sflag:s29], $0x1  }
0xb5: {  	[sflag:s29] =	ssyncadd.s32 $0xFFFFFFFF  }
0xb6: {  	_ =	strace $0x9000004B  }
0xb7: {  	_ =	sfence  }
0xb8: {  	s30 =	sld [smem:$0x0];
	_ =	sdelay $0x2  }
0xb9: {  	s31 =	sshll.u32 s1, $0xD;
	s1 =	sshrl.u32 s1, $0x2  }
0xba: {  	s3 =	sand.u32 $0x4000, s31;
	s1 =	sadd.s32 s1, s30  }
0xbb: {  	s0 =	sor.u32 s3, s0;
	s1 =	sshll.u32 s1, $0x11  }
0xbc: {  	s0 =	sor.u32 s1, s0  }
0xbd: {  	s0 =	sadd.s32 $0x8F2B, s0  }
0xbe: {  	[sflag:s0] =	ssyncadd.remote.s32 $0x1  }
0xbf: {  	_ =	sfence.sel $0xFFFF  }
0xc0: {  	[dreg:$0x0] =	wrdreg $0xFFFFFFFF;
	(pc) =	sbr.abs _section_cstart, $3  }
0xc1: {  	[dreg:$0x1] =	wrdreg $0xFFFFFFFF  }
0xc2: {  	_ =	task.clear_ibuf [dreg:s7], $0x2FFFF;
	_ =	strace $0x9FFFFFFF  }
0xc3: {  	(tm) =	ssettm $0x7FFFFFFF  }
tec
execute0_lowered:
.L_overlay_start_1:
0x0: {  	(tag) =	ssettag $0x1  }
0x1: {  	s0 =	rddreg [dreg:$0x0]  }
0x2: {  	s1 =	srdreg.scid;
	s5 =	rddreg [dreg:$0x1]  }
0x3: {  	s10 =	stileid.u32;
	s2 =	rddreg [dreg:$0x2]  }
0x4: {  	s3 =	simm.s32 $0x0;
	s20 =	simm.s32 $0x14080;
	s22 =	simm.s32 $0x14880  }
0x5: {  	s24 =	simm.s32 $0x14100;
	[smem:$0x7FF] =	sst s3;
	s11 =	sadd.s32 $0x34000, s0  }
0x6: {  	s4 =	smul.u32 $0x5000, s10;
	_ =	strace $0x8000004A;
	[dreg:$0x14] =	wrdreg s11  }
0x7: {  	s26 =	simm.s32 $0x14180;
	s8 =	smul.u32 $0x280, s10;
	[dreg:$0x6] =	wrdreg s20  }
0x8: {  	s1 =	sand.u32 $0x1, s1;
	s10 =	smul.u32 $0x50000, s10;
	[dreg:$0x7] =	wrdreg s22  }
0x9: {  	s13 =	simm.s32 $0x14280;
	s6 =	smul.u32 $0x2800, s1;
	[dreg:$0x8] =	wrdreg s24  }
0xa: {  	s1 =	ssub.s32 $0x2, s1;
	[dreg:$0x9] =	wrdreg s26;
	s11 =	simm.s32 $0x14200  }
0xb: {  	[dreg:$0xd] =	wrdreg s13;
	s14 =	sshrl.u32 s1, $0x1;
	s10 =	sshrl.u32 s10, $0x2  }
0xc: {  	[dreg:$0xc] =	wrdreg s11;
	s1 =	ssub.s32 s1, s14;
	s28 =	sadd.s32 s10, s2  }
0xd: {  	s1 =	smax.u32 s1, $0x1;
	[dreg:$0x15] =	wrdreg s28  }
0xe: {  	s15 =	sadd.s32 $0x2000, s28;
	[dreg:$0x16] =	wrdreg s1  }
0xf: {  	s17 =	sadd.s32 $0x4000, s28;
	[dreg:$0x17] =	wrdreg s15  }
0x10: {  	s4 =	sadd.s32 s6, s4;
	s19 =	sadd.s32 $0x6000, s28;
	[dreg:$0x18] =	wrdreg s17  }
0x11: {  	s6 =	sadd.s32 s6, s8;
	s21 =	sadd.s32 $0x8000, s28;
	[dreg:$0x19] =	wrdreg s19  }
0x12: {  	s7 =	sshrl.u32 s4, $0x3;
	s23 =	sadd.s32 $0xA000, s28;
	[dreg:$0x1a] =	wrdreg s21  }
0x13: {  	s4 =	sadd.s32 $0xC000, s0;
	s25 =	sadd.s32 $0xC000, s28;
	[dreg:$0x1b] =	wrdreg s23  }
0x14: {  	s6 =	sshll.u32 s6, $0x4;
	s8 =	sadd.s32 $0x10000, s28;
	[dreg:$0x1c] =	wrdreg s25  }
0x15: {  	s9 =	sadd.s32 s7, s0;
	s16 =	sadd.s32 s7, s5;
	[dreg:$0x1e] =	wrdreg s8  }
0x16: {  	s0 =	sadd.s32 s6, s0;
	s6 =	sadd.s32 $0xE000, s28;
	[dreg:$0x4] =	wrdreg s16  }
0x17: {  	s7 =	simm.s32 $0x14900;
	[dreg:$0x1d] =	wrdreg s6  }
0x18: {  	s29 =	simm.s32 $0x3;
	s15 =	simm.s32 $0x14A00;
	[dreg:$0xa] =	wrdreg s7  }
0x19: {  	s30 =	simm.s32 $0x14000;
	s17 =	simm.s32 $0x14A80;
	[dreg:$0xe] =	wrdreg s15  }
0x1a: {  	s31 =	simm.s32 $0x14800;
	s19 =	simm.s32 $0x14300;
	[dreg:$0xf] =	wrdreg s17  }
0x1b: {  	s13 =	simm.s32 $0x14F00;
	s21 =	simm.s32 $0x14380;
	[dreg:$0x10] =	wrdreg s19  }
0x1c: {  	s11 =	simm.s32 $0x14700;
	s23 =	simm.s32 $0x14B00;
	[dreg:$0x11] =	wrdreg s21  }
0x1d: {  	s25 =	simm.s32 $0x14B80;
	s1 =	simm.s32 $0x80;
	[dreg:$0x12] =	wrdreg s23  }
0x1e: {  	s5 =	simm.s32 $0x1B000;
	s18 =	sadd.s32 $0x2000, s9;
	[dreg:$0x13] =	wrdreg s25  }
0x1f: {  	s8 =	simm.s32 $0x14680;
	s10 =	sadd.s32 $0x5C000, s0;
	[dreg:$0x5] =	wrdreg s18  }
0x20: {  	s9 =	simm.s32 $0x14980;
	s12 =	sadd.s32 $0x5C400, s0;
	[dreg:$0x1f] =	wrdreg s10  }
0x21: {  	s14 =	sadd.s32 $0x5C800, s0;
	s16 =	sadd.s32 $0x5CC00, s0;
	[dreg:$0xb] =	wrdreg s9  }
0x22: {  	s20 =	sadd.s32 $0x5D400, s0;
	s22 =	sadd.s32 $0x5D800, s0;
	[smem:$0x7F3] =	sst s12  }
0x23: {  	s24 =	sadd.s32 $0x5DC00, s0;
	s26 =	sadd.s32 $0x5E000, s0;
	[smem:$0x7F4] =	sst s14  }
0x24: {  	s15 =	simm.s32 $0x15000;
	s7 =	simm.s32 $0x1;
	[smem:$0x7F5] =	sst s16  }
0x25: {  	s17 =	simm.s32 $0x14400;
	s19 =	simm.s32 $0x14C00;
	[smem:$0x7F7] =	sst s20  }
0x26: {  	s21 =	simm.s32 $0x14500;
	s23 =	simm.s32 $0x14D00;
	[smem:$0x7F8] =	sst s22  }
0x27: {  	s25 =	simm.s32 $0x14600;
	s6 =	simm.s32 $0x0;
	[smem:$0x7F9] =	sst s24  }
0x28: {  	s18 =	sadd.s32 $0x5D000, s0;
	[smem:$0x7FA] =	sst s26;
	s0 =	sadd.s32 $0x5E400, s0  }
0x29: {  	s26 =	sadd.s32 $0x12000, s28;
	s16 =	simm.s32 $0x2;
	s20 =	simm.s32 $0x14C80  }
0x2a: {  	s22 =	simm.s32 $0x14580;
	s24 =	simm.s32 $0x14D80;
	[smem:$0x7FC] =	sst s6  }
0x2b: {  	s9 =	simm.s32 $0x14E00;
	s10 =	simm.s32 $0x14E80;
	[smem:$0x7F6] =	sst s18  }
0x2c: {  	s12 =	simm.s32 $0x14780;
	s14 =	simm.s32 $0x14F80;
	[smem:$0x7FB] =	sst s0  }
0x2d: {  	s0 =	simm.s32 $0x17000;
	s18 =	simm.s32 $0x14480;
	[smem:$0x7FD] =	sst s26  }
.LBB2_1:
0x2e: {  	s6 =	rddreg [dreg:$0x14]  }
0x2f: {  	[tilespmem:s15], [sflag:$0x3] =	stream.linear.gather [hbm4b:s6+s3], $0x2000, $0x38;
	[tilespmem:$0x1F000] =	vst v63  }
0x30: {  	_ =	swait.ge [sflag:s29], $0x2000  }
0x31: {  	[sflag:s29] =	ssyncset.done $0x0  }
0x32: {  	[sflag:s29] =	ssyncadd.s32 $0xFFFFE000  }
0x33: {  	[spmem:s28] =	stream.linear.scatter [tilespmem:s15], [sflag:$0x3], $0x2000, $0x38;
	[tilespmem:$0x1F000] =	vst v63  }
0x34: {  	_ =	swait.ge [sflag:s29], $0x2000  }
0x35: {  	[sflag:s29] =	ssyncset.done $0x0  }
0x36: {  	s28 =	rddreg [dreg:$0x17];
	[sflag:s29] =	ssyncadd.s32 $0xFFFFE000  }
0x37: {  	[spmem:s28] =	stream.linear.scatter [tilespmem:s15], [sflag:$0x3], $0x2000, $0x38;
	[tilespmem:$0x1F000] =	vst v63  }
0x38: {  	_ =	swait.ge [sflag:s29], $0x2000  }
0x39: {  	[sflag:s29] =	ssyncset.done $0x0  }
0x3a: {  	s28 =	rddreg [dreg:$0x18];
	[sflag:s29] =	ssyncadd.s32 $0xFFFFE000  }
0x3b: {  	[spmem:s28] =	stream.linear.scatter [tilespmem:s15], [sflag:$0x3], $0x2000, $0x38;
	[tilespmem:$0x1F000] =	vst v63  }
0x3c: {  	_ =	swait.ge [sflag:s29], $0x2000  }
0x3d: {  	[sflag:s29] =	ssyncset.done $0x0  }
0x3e: {  	s28 =	rddreg [dreg:$0x19];
	[sflag:s29] =	ssyncadd.s32 $0xFFFFE000  }
0x3f: {  	[spmem:s28] =	stream.linear.scatter [tilespmem:s15], [sflag:$0x3], $0x2000, $0x38;
	[tilespmem:$0x1F000] =	vst v63  }
0x40: {  	_ =	swait.ge [sflag:s29], $0x2000  }
0x41: {  	[sflag:s29] =	ssyncset.done $0x0  }
0x42: {  	s28 =	rddreg [dreg:$0x1a];
	[sflag:s29] =	ssyncadd.s32 $0xFFFFE000  }
0x43: {  	[spmem:s28] =	stream.linear.scatter [tilespmem:s15], [sflag:$0x3], $0x2000, $0x38;
	[tilespmem:$0x1F000] =	vst v63  }
0x44: {  	_ =	swait.ge [sflag:s29], $0x2000  }
0x45: {  	[sflag:s29] =	ssyncset.done $0x0  }
0x46: {  	s28 =	rddreg [dreg:$0x1b];
	[sflag:s29] =	ssyncadd.s32 $0xFFFFE000  }
0x47: {  	[spmem:s28] =	stream.linear.scatter [tilespmem:s15], [sflag:$0x3], $0x2000, $0x38;
	[tilespmem:$0x1F000] =	vst v63  }
0x48: {  	_ =	swait.ge [sflag:s29], $0x2000  }
0x49: {  	[sflag:s29] =	ssyncset.done $0x0  }
0x4a: {  	s28 =	rddreg [dreg:$0x1c];
	[sflag:s29] =	ssyncadd.s32 $0xFFFFE000  }
0x4b: {  	[spmem:s28] =	stream.linear.scatter [tilespmem:s15], [sflag:$0x3], $0x2000, $0x38;
	[tilespmem:$0x1F000] =	vst v63  }
0x4c: {  	_ =	swait.ge [sflag:s29], $0x2000  }
0x4d: {  	[sflag:s29] =	ssyncset.done $0x0  }
0x4e: {  	s28 =	rddreg [dreg:$0x1d];
	[sflag:s29] =	ssyncadd.s32 $0xFFFFE000  }
0x4f: {  	[spmem:s28] =	stream.linear.scatter [tilespmem:s15], [sflag:$0x3], $0x2000, $0x38;
	[tilespmem:$0x1F000] =	vst v63  }
0x50: {  	_ =	swait.ge [sflag:s29], $0x2000  }
0x51: {  	[sflag:s29] =	ssyncset.done $0x0  }
0x52: {  	s28 =	rddreg [dreg:$0x1e];
	[sflag:s29] =	ssyncadd.s32 $0xFFFFE000  }
0x53: {  	[spmem:s28] =	stream.linear.scatter [tilespmem:s15], [sflag:$0x3], $0x2000, $0x38;
	[tilespmem:$0x1F000] =	vst v63  }
0x54: {  	_ =	swait.ge [sflag:s29], $0x2000  }
0x55: {  	[sflag:s29] =	ssyncset.done $0x0  }
0x56: {  	[sflag:s29] =	ssyncadd.s32 $0xFFFFE000  }
0x57: {  	[spmem:s26] =	stream.linear.scatter [tilespmem:s15], [sflag:$0x3], $0x2000, $0x38;
	[tilespmem:$0x1F000] =	vst v63  }
0x58: {  	_ =	swait.ge [sflag:s29], $0x2000  }
0x59: {  	[sflag:s29] =	ssyncset.done $0x0  }
0x5a: {  	[sflag:s29] =	ssyncadd.s32 $0xFFFFE000  }
0x5b: {  	[bflag:$0x0] =	sbarrier.arrive $0xFFFF  }
0x5c: {  	s15 =	rddreg [dreg:$0x5]  }
0x5d: {  	s6 =	sadd.s32 $0x0, s15  }
0x5e: {  	[tilespmem:s30], [sflag:$0x3] =	stream.linear.gather [hbm4b:s6+s3], $0x800, $0x38;
	[tilespmem:$0x1F000] =	vst v63  }
0x5f: {  	_ =	swait.ge [sflag:s29], $0x800  }
0x60: {  	s26 =	rddreg [dreg:$0x4];
	[sflag:s29] =	ssyncset.done $0x0  }
0x61: {  	[sflag:s29] =	ssyncadd.s32 $0xFFFFF800;
	s6 =	sadd.s32 $0x0, s26  }
0x62: {  	[tilespmem:s31], [sflag:$0x3] =	stream.linear.gather [hbm4b:s6+s3], $0x800, $0x38;
	[tilespmem:$0x1F000] =	vst v63  }
0x63: {  	_ =	swait.ge [sflag:s29], $0x800  }
0x64: {  	[sflag:s29] =	ssyncset.done $0x0  }
0x65: {  	[sflag:s29] =	ssyncadd.s32 $0xFFFFF800  }
0x66: {  	[tilespmem:s0], [sflag:$0x1] =	stream.indirect.gather [hbm4b:s4+s1], $0x80, s30, s1, $0xb8;
	[tilespmem:$0x1F000] =	vst v63  }
0x67: {  	s28 =	rddreg [dreg:$0x6]  }
0x68: {  	[tilespmem:s5], [sflag:$0x2] =	stream.indirect.gather [hbm4b:s4+s1], $0x80, s28, s1, $0xb8;
	[tilespmem:$0x1F000] =	vst v63  }
0x69: {  	_ =	swait.ge [sflag:s7], $0x4000  }
0x6a: {  	[sflag:s7] =	ssyncset.done $0x0  }
0x6b: {  	[sflag:s7] =	ssyncadd.s32 $0xFFFFC000  }
0x6c: {  	[spmem:s2] =	stream.indirect.scatter.add.f32 [tilespmem:s0], [sflag:$0x3], $0x80, s31, s1, $0xb8;
	[tilespmem:$0x1F000] =	vst v63  }
0x6d: {  	_ =	swait.ge [sflag:s29], $0x4000  }
0x6e: {  	[sflag:s29] =	ssyncset.done $0x0  }
0x6f: {  	[sflag:s29] =	ssyncadd.s32 $0xFFFFC000  }
0x70: {  	_ =	swait.ge [sflag:s16], $0x4000  }
0x71: {  	[sflag:s16] =	ssyncset.done $0x0  }
0x72: {  	s15 =	rddreg [dreg:$0x7];
	[sflag:s16] =	ssyncadd.s32 $0xFFFFC000  }
0x73: {  	[spmem:s2] =	stream.indirect.scatter.add.f32 [tilespmem:s5], [sflag:$0x3], $0x80, s15, s1, $0xb8;
	[tilespmem:$0x1F000] =	vst v63  }
0x74: {  	_ =	swait.ge [sflag:s29], $0x4000  }
0x75: {  	[sflag:s29] =	ssyncset.done $0x0  }
0x76: {  	s26 =	rddreg [dreg:$0x8];
	[sflag:s29] =	ssyncadd.s32 $0xFFFFC000  }
0x77: {  	[tilespmem:s0], [sflag:$0x1] =	stream.indirect.gather [hbm4b:s4+s1], $0x80, s26, s1, $0xb8;
	[tilespmem:$0x1F000] =	vst v63  }
0x78: {  	s28 =	rddreg [dreg:$0x9]  }
0x79: {  	[tilespmem:s5], [sflag:$0x2] =	stream.indirect.gather [hbm4b:s4+s1], $0x80, s28, s1, $0xb8;
	[tilespmem:$0x1F000] =	vst v63  }
0x7a: {  	_ =	swait.ge [sflag:s7], $0x4000  }
0x7b: {  	[sflag:s7] =	ssyncset.done $0x0  }
0x7c: {  	s26 =	rddreg [dreg:$0xa];
	[sflag:s7] =	ssyncadd.s32 $0xFFFFC000  }
0x7d: {  	[spmem:s2] =	stream.indirect.scatter.add.f32 [tilespmem:s0], [sflag:$0x3], $0x80, s26, s1, $0xb8;
	[tilespmem:$0x1F000] =	vst v63  }
0x7e: {  	_ =	swait.ge [sflag:s29], $0x4000  }
0x7f: {  	[sflag:s29] =	ssyncset.done $0x0  }
0x80: {  	[sflag:s29] =	ssyncadd.s32 $0xFFFFC000  }
0x81: {  	_ =	swait.ge [sflag:s16], $0x4000  }
0x82: {  	[sflag:s16] =	ssyncset.done $0x0  }
0x83: {  	s28 =	rddreg [dreg:$0xb];
	[sflag:s16] =	ssyncadd.s32 $0xFFFFC000  }
0x84: {  	[spmem:s2] =	stream.indirect.scatter.add.f32 [tilespmem:s5], [sflag:$0x3], $0x80, s28, s1, $0xb8;
	[tilespmem:$0x1F000] =	vst v63  }
0x85: {  	_ =	swait.ge [sflag:s29], $0x4000  }
0x86: {  	[sflag:s29] =	ssyncset.done $0x0  }
0x87: {  	s15 =	rddreg [dreg:$0xc];
	[sflag:s29] =	ssyncadd.s32 $0xFFFFC000  }
0x88: {  	[tilespmem:s0], [sflag:$0x1] =	stream.indirect.gather [hbm4b:s4+s1], $0x80, s15, s1, $0xb8;
	[tilespmem:$0x1F000] =	vst v63  }
0x89: {  	s26 =	rddreg [dreg:$0xd]  }
0x8a: {  	[tilespmem:s5], [sflag:$0x2] =	stream.indirect.gather [hbm4b:s4+s1], $0x80, s26, s1, $0xb8;
	[tilespmem:$0x1F000] =	vst v63  }
0x8b: {  	_ =	swait.ge [sflag:s7], $0x4000  }
0x8c: {  	[sflag:s7] =	ssyncset.done $0x0  }
0x8d: {  	s28 =	rddreg [dreg:$0xe];
	[sflag:s7] =	ssyncadd.s32 $0xFFFFC000  }
0x8e: {  	[spmem:s2] =	stream.indirect.scatter.add.f32 [tilespmem:s0], [sflag:$0x3], $0x80, s28, s1, $0xb8;
	[tilespmem:$0x1F000] =	vst v63  }
0x8f: {  	_ =	swait.ge [sflag:s29], $0x4000  }
0x90: {  	[sflag:s29] =	ssyncset.done $0x0  }
0x91: {  	[sflag:s29] =	ssyncadd.s32 $0xFFFFC000  }
0x92: {  	_ =	swait.ge [sflag:s16], $0x4000  }
0x93: {  	[sflag:s16] =	ssyncset.done $0x0  }
0x94: {  	s15 =	rddreg [dreg:$0xf];
	[sflag:s16] =	ssyncadd.s32 $0xFFFFC000  }
0x95: {  	[spmem:s2] =	stream.indirect.scatter.add.f32 [tilespmem:s5], [sflag:$0x3], $0x80, s15, s1, $0xb8;
	[tilespmem:$0x1F000] =	vst v63  }
0x96: {  	_ =	swait.ge [sflag:s29], $0x4000  }
0x97: {  	[sflag:s29] =	ssyncset.done $0x0  }
0x98: {  	s26 =	rddreg [dreg:$0x10];
	[sflag:s29] =	ssyncadd.s32 $0xFFFFC000  }
0x99: {  	[tilespmem:s0], [sflag:$0x1] =	stream.indirect.gather [hbm4b:s4+s1], $0x80, s26, s1, $0xb8;
	[tilespmem:$0x1F000] =	vst v63  }
0x9a: {  	s28 =	rddreg [dreg:$0x11]  }
0x9b: {  	[tilespmem:s5], [sflag:$0x2] =	stream.indirect.gather [hbm4b:s4+s1], $0x80, s28, s1, $0xb8;
	[tilespmem:$0x1F000] =	vst v63  }
0x9c: {  	_ =	swait.ge [sflag:s7], $0x4000  }
0x9d: {  	[sflag:s7] =	ssyncset.done $0x0  }
0x9e: {  	s26 =	rddreg [dreg:$0x12];
	[sflag:s7] =	ssyncadd.s32 $0xFFFFC000  }
0x9f: {  	[spmem:s2] =	stream.indirect.scatter.add.f32 [tilespmem:s0], [sflag:$0x3], $0x80, s26, s1, $0xb8;
	[tilespmem:$0x1F000] =	vst v63  }
0xa0: {  	_ =	swait.ge [sflag:s29], $0x4000  }
0xa1: {  	[sflag:s29] =	ssyncset.done $0x0  }
0xa2: {  	[sflag:s29] =	ssyncadd.s32 $0xFFFFC000  }
0xa3: {  	_ =	swait.ge [sflag:s16], $0x4000  }
0xa4: {  	[sflag:s16] =	ssyncset.done $0x0  }
0xa5: {  	s28 =	rddreg [dreg:$0x13];
	[sflag:s16] =	ssyncadd.s32 $0xFFFFC000  }
0xa6: {  	[spmem:s2] =	stream.indirect.scatter.add.f32 [tilespmem:s5], [sflag:$0x3], $0x80, s28, s1, $0xb8;
	[tilespmem:$0x1F000] =	vst v63  }
0xa7: {  	_ =	swait.ge [sflag:s29], $0x4000  }
0xa8: {  	[sflag:s29] =	ssyncset.done $0x0  }
0xa9: {  	[sflag:s29] =	ssyncadd.s32 $0xFFFFC000  }
0xaa: {  	[tilespmem:s0], [sflag:$0x1] =	stream.indirect.gather [hbm4b:s4+s1], $0x80, s17, s1, $0xb8;
	[tilespmem:$0x1F000] =	vst v63  }
0xab: {  	_ = 	snop  }
0xac: {  	[tilespmem:s5], [sflag:$0x2] =	stream.indirect.gather [hbm4b:s4+s1], $0x80, s18, s1, $0xb8;
	[tilespmem:$0x1F000] =	vst v63  }
0xad: {  	_ =	swait.ge [sflag:s7], $0x4000  }
0xae: {  	[sflag:s7] =	ssyncset.done $0x0  }
0xaf: {  	[sflag:s7] =	ssyncadd.s32 $0xFFFFC000  }
0xb0: {  	[spmem:s2] =	stream.indirect.scatter.add.f32 [tilespmem:s0], [sflag:$0x3], $0x80, s19, s1, $0xb8;
	[tilespmem:$0x1F000] =	vst v63  }
0xb1: {  	_ =	swait.ge [sflag:s29], $0x4000  }
0xb2: {  	[sflag:s29] =	ssyncset.done $0x0  }
0xb3: {  	[sflag:s29] =	ssyncadd.s32 $0xFFFFC000  }
0xb4: {  	_ =	swait.ge [sflag:s16], $0x4000  }
0xb5: {  	[sflag:s16] =	ssyncset.done $0x0  }
0xb6: {  	[sflag:s16] =	ssyncadd.s32 $0xFFFFC000  }
0xb7: {  	[spmem:s2] =	stream.indirect.scatter.add.f32 [tilespmem:s5], [sflag:$0x3], $0x80, s20, s1, $0xb8;
	[tilespmem:$0x1F000] =	vst v63  }
0xb8: {  	_ =	swait.ge [sflag:s29], $0x4000  }
0xb9: {  	[sflag:s29] =	ssyncset.done $0x0  }
0xba: {  	[sflag:s29] =	ssyncadd.s32 $0xFFFFC000  }
0xbb: {  	[tilespmem:s0], [sflag:$0x1] =	stream.indirect.gather [hbm4b:s4+s1], $0x80, s21, s1, $0xb8;
	[tilespmem:$0x1F000] =	vst v63  }
0xbc: {  	_ = 	snop  }
0xbd: {  	[tilespmem:s5], [sflag:$0x2] =	stream.indirect.gather [hbm4b:s4+s1], $0x80, s22, s1, $0xb8;
	[tilespmem:$0x1F000] =	vst v63  }
0xbe: {  	_ =	swait.ge [sflag:s7], $0x4000  }
0xbf: {  	[sflag:s7] =	ssyncset.done $0x0  }
0xc0: {  	[sflag:s7] =	ssyncadd.s32 $0xFFFFC000  }
0xc1: {  	[spmem:s2] =	stream.indirect.scatter.add.f32 [tilespmem:s0], [sflag:$0x3], $0x80, s23, s1, $0xb8;
	[tilespmem:$0x1F000] =	vst v63  }
0xc2: {  	_ =	swait.ge [sflag:s29], $0x4000  }
0xc3: {  	[sflag:s29] =	ssyncset.done $0x0  }
0xc4: {  	[sflag:s29] =	ssyncadd.s32 $0xFFFFC000  }
0xc5: {  	_ =	swait.ge [sflag:s16], $0x4000  }
0xc6: {  	[sflag:s16] =	ssyncset.done $0x0  }
0xc7: {  	[sflag:s16] =	ssyncadd.s32 $0xFFFFC000  }
0xc8: {  	[spmem:s2] =	stream.indirect.scatter.add.f32 [tilespmem:s5], [sflag:$0x3], $0x80, s24, s1, $0xb8;
	[tilespmem:$0x1F000] =	vst v63  }
0xc9: {  	_ =	swait.ge [sflag:s29], $0x4000  }
0xca: {  	[sflag:s29] =	ssyncset.done $0x0  }
0xcb: {  	[sflag:s29] =	ssyncadd.s32 $0xFFFFC000  }
0xcc: {  	[tilespmem:s0], [sflag:$0x1] =	stream.indirect.gather [hbm4b:s4+s1], $0x80, s25, s1, $0xb8;
	[tilespmem:$0x1F000] =	vst v63  }
0xcd: {  	_ = 	snop  }
0xce: {  	[tilespmem:s5], [sflag:$0x2] =	stream.indirect.gather [hbm4b:s4+s1], $0x80, s8, s1, $0xb8;
	[tilespmem:$0x1F000] =	vst v63  }
0xcf: {  	_ =	swait.ge [sflag:s7], $0x4000  }
0xd0: {  	[sflag:s7] =	ssyncset.done $0x0  }
0xd1: {  	[sflag:s7] =	ssyncadd.s32 $0xFFFFC000  }
0xd2: {  	[spmem:s2] =	stream.indirect.scatter.add.f32 [tilespmem:s0], [sflag:$0x3], $0x80, s9, s1, $0xb8;
	[tilespmem:$0x1F000] =	vst v63  }
0xd3: {  	_ =	swait.ge [sflag:s29], $0x4000  }
0xd4: {  	[sflag:s29] =	ssyncset.done $0x0  }
0xd5: {  	[sflag:s29] =	ssyncadd.s32 $0xFFFFC000  }
0xd6: {  	_ =	swait.ge [sflag:s16], $0x4000  }
0xd7: {  	[sflag:s16] =	ssyncset.done $0x0  }
0xd8: {  	[sflag:s16] =	ssyncadd.s32 $0xFFFFC000  }
0xd9: {  	[spmem:s2] =	stream.indirect.scatter.add.f32 [tilespmem:s5], [sflag:$0x3], $0x80, s10, s1, $0xb8;
	[tilespmem:$0x1F000] =	vst v63  }
0xda: {  	_ =	swait.ge [sflag:s29], $0x4000  }
0xdb: {  	[sflag:s29] =	ssyncset.done $0x0  }
0xdc: {  	[sflag:s29] =	ssyncadd.s32 $0xFFFFC000  }
0xdd: {  	[tilespmem:s0], [sflag:$0x1] =	stream.indirect.gather [hbm4b:s4+s1], $0x80, s11, s1, $0xb8;
	[tilespmem:$0x1F000] =	vst v63  }
0xde: {  	_ = 	snop  }
0xdf: {  	[tilespmem:s5], [sflag:$0x2] =	stream.indirect.gather [hbm4b:s4+s1], $0x80, s12, s1, $0xb8;
	[tilespmem:$0x1F000] =	vst v63  }
0xe0: {  	_ =	swait.ge [sflag:s7], $0x4000  }
0xe1: {  	[sflag:s7] =	ssyncset.done $0x0  }
0xe2: {  	[sflag:s7] =	ssyncadd.s32 $0xFFFFC000  }
0xe3: {  	[spmem:s2] =	stream.indirect.scatter.add.f32 [tilespmem:s0], [sflag:$0x3], $0x80, s13, s1, $0xb8;
	[tilespmem:$0x1F000] =	vst v63  }
0xe4: {  	_ =	swait.ge [sflag:s29], $0x4000  }
0xe5: {  	[sflag:s29] =	ssyncset.done $0x0  }
0xe6: {  	[sflag:s29] =	ssyncadd.s32 $0xFFFFC000  }
0xe7: {  	_ =	swait.ge [sflag:s16], $0x4000  }
0xe8: {  	[sflag:s16] =	ssyncset.done $0x0  }
0xe9: {  	[sflag:s16] =	ssyncadd.s32 $0xFFFFC000  }
0xea: {  	[spmem:s2] =	stream.indirect.scatter.add.f32 [tilespmem:s5], [sflag:$0x3], $0x80, s14, s1, $0xb8;
	[tilespmem:$0x1F000] =	vst v63  }
0xeb: {  	s6 =	simm.s32 $0x200;
	_ =	swait.ge [sflag:s29], $0x4000  }
0xec: {  	s26 =	simm.s32 $0x100;
	s15 =	rddreg [dreg:$0x5];
	[sflag:s29] =	ssyncset.done $0x0  }
.LBB2_2:
0xed: {  	[sflag:s29] =	ssyncadd.s32 $0xFFFFC000;
	s15 =	sadd.s32 s26, s15  }
0xee: {  	[tilespmem:s30], [sflag:$0x3] =	stream.linear.gather [hbm4b:s15+s3], $0x800, $0x38;
	[tilespmem:$0x1F000] =	vst v63  }
0xef: {  	_ =	swait.ge [sflag:s29], $0x800  }
0xf0: {  	s15 =	rddreg [dreg:$0x4];
	[sflag:s29] =	ssyncset.done $0x0  }
0xf1: {  	[sflag:s29] =	ssyncadd.s32 $0xFFFFF800;
	s15 =	sadd.s32 s26, s15  }
0xf2: {  	[tilespmem:s31], [sflag:$0x3] =	stream.linear.gather [hbm4b:s15+s3], $0x800, $0x38;
	[tilespmem:$0x1F000] =	vst v63  }
0xf3: {  	_ =	swait.ge [sflag:s29], $0x800  }
0xf4: {  	[sflag:s29] =	ssyncset.done $0x0  }
0xf5: {  	s28 =	smov.u32 s6;
	[sflag:s29] =	ssyncadd.s32 $0xFFFFF800  }
0xf6: {  	[tilespmem:s0], [sflag:$0x1] =	stream.indirect.gather [hbm4b:s4+s1], $0x80, s30, s1, $0xb8;
	[tilespmem:$0x1F000] =	vst v63  }
0xf7: {  	s26 =	smov.u32 s28;
	s28 =	rddreg [dreg:$0x6]  }
0xf8: {  	[tilespmem:s5], [sflag:$0x2] =	stream.indirect.gather [hbm4b:s4+s1], $0x80, s28, s1, $0xb8;
	[tilespmem:$0x1F000] =	vst v63  }
0xf9: {  	_ =	swait.ge [sflag:s7], $0x4000  }
0xfa: {  	[sflag:s7] =	ssyncset.done $0x0  }
0xfb: {  	[sflag:s7] =	ssyncadd.s32 $0xFFFFC000  }
0xfc: {  	[spmem:s2] =	stream.indirect.scatter.add.f32 [tilespmem:s0], [sflag:$0x3], $0x80, s31, s1, $0xb8;
	[tilespmem:$0x1F000] =	vst v63  }
0xfd: {  	_ =	swait.ge [sflag:s29], $0x4000  }
0xfe: {  	[sflag:s29] =	ssyncset.done $0x0  }
0xff: {  	[sflag:s29] =	ssyncadd.s32 $0xFFFFC000  }
0x100: {  	_ =	swait.ge [sflag:s16], $0x4000  }
0x101: {  	[sflag:s16] =	ssyncset.done $0x0  }
0x102: {  	s28 =	rddreg [dreg:$0x7];
	[sflag:s16] =	ssyncadd.s32 $0xFFFFC000  }
0x103: {  	[spmem:s2] =	stream.indirect.scatter.add.f32 [tilespmem:s5], [sflag:$0x3], $0x80, s28, s1, $0xb8;
	[tilespmem:$0x1F000] =	vst v63  }
0x104: {  	_ =	swait.ge [sflag:s29], $0x4000  }
0x105: {  	[sflag:s29] =	ssyncset.done $0x0  }
0x106: {  	s15 =	rddreg [dreg:$0x8];
	[sflag:s29] =	ssyncadd.s32 $0xFFFFC000  }
0x107: {  	[tilespmem:s0], [sflag:$0x1] =	stream.indirect.gather [hbm4b:s4+s1], $0x80, s15, s1, $0xb8;
	[tilespmem:$0x1F000] =	vst v63  }
0x108: {  	s28 =	rddreg [dreg:$0x9]  }
0x109: {  	[tilespmem:s5], [sflag:$0x2] =	stream.indirect.gather [hbm4b:s4+s1], $0x80, s28, s1, $0xb8;
	[tilespmem:$0x1F000] =	vst v63  }
0x10a: {  	_ =	swait.ge [sflag:s7], $0x4000  }
0x10b: {  	[sflag:s7] =	ssyncset.done $0x0  }
0x10c: {  	s28 =	rddreg [dreg:$0xa];
	[sflag:s7] =	ssyncadd.s32 $0xFFFFC000  }
0x10d: {  	[spmem:s2] =	stream.indirect.scatter.add.f32 [tilespmem:s0], [sflag:$0x3], $0x80, s28, s1, $0xb8;
	[tilespmem:$0x1F000] =	vst v63  }
0x10e: {  	_ =	swait.ge [sflag:s29], $0x4000  }
0x10f: {  	[sflag:s29] =	ssyncset.done $0x0  }
0x110: {  	[sflag:s29] =	ssyncadd.s32 $0xFFFFC000  }
0x111: {  	_ =	swait.ge [sflag:s16], $0x4000  }
0x112: {  	[sflag:s16] =	ssyncset.done $0x0  }
0x113: {  	s28 =	rddreg [dreg:$0xb];
	[sflag:s16] =	ssyncadd.s32 $0xFFFFC000  }
0x114: {  	[spmem:s2] =	stream.indirect.scatter.add.f32 [tilespmem:s5], [sflag:$0x3], $0x80, s28, s1, $0xb8;
	[tilespmem:$0x1F000] =	vst v63  }
0x115: {  	_ =	swait.ge [sflag:s29], $0x4000  }
0x116: {  	[sflag:s29] =	ssyncset.done $0x0  }
0x117: {  	s15 =	rddreg [dreg:$0xc];
	[sflag:s29] =	ssyncadd.s32 $0xFFFFC000  }
0x118: {  	[tilespmem:s0], [sflag:$0x1] =	stream.indirect.gather [hbm4b:s4+s1], $0x80, s15, s1, $0xb8;
	[tilespmem:$0x1F000] =	vst v63  }
0x119: {  	s28 =	rddreg [dreg:$0xd]  }
0x11a: {  	[tilespmem:s5], [sflag:$0x2] =	stream.indirect.gather [hbm4b:s4+s1], $0x80, s28, s1, $0xb8;
	[tilespmem:$0x1F000] =	vst v63  }
0x11b: {  	_ =	swait.ge [sflag:s7], $0x4000  }
0x11c: {  	[sflag:s7] =	ssyncset.done $0x0  }
0x11d: {  	s28 =	rddreg [dreg:$0xe];
	[sflag:s7] =	ssyncadd.s32 $0xFFFFC000  }
0x11e: {  	[spmem:s2] =	stream.indirect.scatter.add.f32 [tilespmem:s0], [sflag:$0x3], $0x80, s28, s1, $0xb8;
	[tilespmem:$0x1F000] =	vst v63  }
0x11f: {  	_ =	swait.ge [sflag:s29], $0x4000  }
0x120: {  	[sflag:s29] =	ssyncset.done $0x0  }
0x121: {  	[sflag:s29] =	ssyncadd.s32 $0xFFFFC000  }
0x122: {  	_ =	swait.ge [sflag:s16], $0x4000  }
0x123: {  	[sflag:s16] =	ssyncset.done $0x0  }
0x124: {  	s28 =	rddreg [dreg:$0xf];
	[sflag:s16] =	ssyncadd.s32 $0xFFFFC000  }
0x125: {  	[spmem:s2] =	stream.indirect.scatter.add.f32 [tilespmem:s5], [sflag:$0x3], $0x80, s28, s1, $0xb8;
	[tilespmem:$0x1F000] =	vst v63  }
0x126: {  	_ =	swait.ge [sflag:s29], $0x4000  }
0x127: {  	[sflag:s29] =	ssyncset.done $0x0  }
0x128: {  	s15 =	rddreg [dreg:$0x10];
	[sflag:s29] =	ssyncadd.s32 $0xFFFFC000  }
0x129: {  	[tilespmem:s0], [sflag:$0x1] =	stream.indirect.gather [hbm4b:s4+s1], $0x80, s15, s1, $0xb8;
	[tilespmem:$0x1F000] =	vst v63  }
0x12a: {  	s28 =	rddreg [dreg:$0x11]  }
0x12b: {  	[tilespmem:s5], [sflag:$0x2] =	stream.indirect.gather [hbm4b:s4+s1], $0x80, s28, s1, $0xb8;
	[tilespmem:$0x1F000] =	vst v63  }
0x12c: {  	_ =	swait.ge [sflag:s7], $0x4000  }
0x12d: {  	[sflag:s7] =	ssyncset.done $0x0  }
0x12e: {  	s28 =	rddreg [dreg:$0x12];
	[sflag:s7] =	ssyncadd.s32 $0xFFFFC000  }
0x12f: {  	[spmem:s2] =	stream.indirect.scatter.add.f32 [tilespmem:s0], [sflag:$0x3], $0x80, s28, s1, $0xb8;
	[tilespmem:$0x1F000] =	vst v63  }
0x130: {  	_ =	swait.ge [sflag:s29], $0x4000  }
0x131: {  	[sflag:s29] =	ssyncset.done $0x0  }
0x132: {  	[sflag:s29] =	ssyncadd.s32 $0xFFFFC000  }
0x133: {  	_ =	swait.ge [sflag:s16], $0x4000  }
0x134: {  	[sflag:s16] =	ssyncset.done $0x0  }
0x135: {  	s28 =	rddreg [dreg:$0x13];
	[sflag:s16] =	ssyncadd.s32 $0xFFFFC000  }
0x136: {  	[spmem:s2] =	stream.indirect.scatter.add.f32 [tilespmem:s5], [sflag:$0x3], $0x80, s28, s1, $0xb8;
	[tilespmem:$0x1F000] =	vst v63  }
0x137: {  	_ =	swait.ge [sflag:s29], $0x4000  }
0x138: {  	[sflag:s29] =	ssyncset.done $0x0  }
0x139: {  	[sflag:s29] =	ssyncadd.s32 $0xFFFFC000  }
0x13a: {  	[tilespmem:s0], [sflag:$0x1] =	stream.indirect.gather [hbm4b:s4+s1], $0x80, s17, s1, $0xb8;
	[tilespmem:$0x1F000] =	vst v63  }
0x13b: {  	_ = 	snop  }
0x13c: {  	[tilespmem:s5], [sflag:$0x2] =	stream.indirect.gather [hbm4b:s4+s1], $0x80, s18, s1, $0xb8;
	[tilespmem:$0x1F000] =	vst v63  }
0x13d: {  	_ =	swait.ge [sflag:s7], $0x4000  }
0x13e: {  	[sflag:s7] =	ssyncset.done $0x0  }
0x13f: {  	[sflag:s7] =	ssyncadd.s32 $0xFFFFC000  }
0x140: {  	[spmem:s2] =	stream.indirect.scatter.add.f32 [tilespmem:s0], [sflag:$0x3], $0x80, s19, s1, $0xb8;
	[tilespmem:$0x1F000] =	vst v63  }
0x141: {  	_ =	swait.ge [sflag:s29], $0x4000  }
0x142: {  	[sflag:s29] =	ssyncset.done $0x0  }
0x143: {  	[sflag:s29] =	ssyncadd.s32 $0xFFFFC000  }
0x144: {  	_ =	swait.ge [sflag:s16], $0x4000  }
0x145: {  	[sflag:s16] =	ssyncset.done $0x0  }
0x146: {  	[sflag:s16] =	ssyncadd.s32 $0xFFFFC000  }
0x147: {  	[spmem:s2] =	stream.indirect.scatter.add.f32 [tilespmem:s5], [sflag:$0x3], $0x80, s20, s1, $0xb8;
	[tilespmem:$0x1F000] =	vst v63  }
0x148: {  	_ =	swait.ge [sflag:s29], $0x4000  }
0x149: {  	[sflag:s29] =	ssyncset.done $0x0  }
0x14a: {  	[sflag:s29] =	ssyncadd.s32 $0xFFFFC000  }
0x14b: {  	[tilespmem:s0], [sflag:$0x1] =	stream.indirect.gather [hbm4b:s4+s1], $0x80, s21, s1, $0xb8;
	[tilespmem:$0x1F000] =	vst v63  }
0x14c: {  	_ = 	snop  }
0x14d: {  	[tilespmem:s5], [sflag:$0x2] =	stream.indirect.gather [hbm4b:s4+s1], $0x80, s22, s1, $0xb8;
	[tilespmem:$0x1F000] =	vst v63  }
0x14e: {  	_ =	swait.ge [sflag:s7], $0x4000  }
0x14f: {  	[sflag:s7] =	ssyncset.done $0x0  }
0x150: {  	[sflag:s7] =	ssyncadd.s32 $0xFFFFC000  }
0x151: {  	[spmem:s2] =	stream.indirect.scatter.add.f32 [tilespmem:s0], [sflag:$0x3], $0x80, s23, s1, $0xb8;
	[tilespmem:$0x1F000] =	vst v63  }
0x152: {  	_ =	swait.ge [sflag:s29], $0x4000  }
0x153: {  	[sflag:s29] =	ssyncset.done $0x0  }
0x154: {  	[sflag:s29] =	ssyncadd.s32 $0xFFFFC000  }
0x155: {  	_ =	swait.ge [sflag:s16], $0x4000  }
0x156: {  	[sflag:s16] =	ssyncset.done $0x0  }
0x157: {  	[sflag:s16] =	ssyncadd.s32 $0xFFFFC000  }
0x158: {  	[spmem:s2] =	stream.indirect.scatter.add.f32 [tilespmem:s5], [sflag:$0x3], $0x80, s24, s1, $0xb8;
	[tilespmem:$0x1F000] =	vst v63  }
0x159: {  	_ =	swait.ge [sflag:s29], $0x4000  }
0x15a: {  	[sflag:s29] =	ssyncset.done $0x0  }
0x15b: {  	[sflag:s29] =	ssyncadd.s32 $0xFFFFC000  }
0x15c: {  	[tilespmem:s0], [sflag:$0x1] =	stream.indirect.gather [hbm4b:s4+s1], $0x80, s25, s1, $0xb8;
	[tilespmem:$0x1F000] =	vst v63  }
0x15d: {  	_ = 	snop  }
0x15e: {  	[tilespmem:s5], [sflag:$0x2] =	stream.indirect.gather [hbm4b:s4+s1], $0x80, s8, s1, $0xb8;
	[tilespmem:$0x1F000] =	vst v63  }
0x15f: {  	_ =	swait.ge [sflag:s7], $0x4000  }
0x160: {  	[sflag:s7] =	ssyncset.done $0x0  }
0x161: {  	[sflag:s7] =	ssyncadd.s32 $0xFFFFC000  }
0x162: {  	[spmem:s2] =	stream.indirect.scatter.add.f32 [tilespmem:s0], [sflag:$0x3], $0x80, s9, s1, $0xb8;
	[tilespmem:$0x1F000] =	vst v63  }
0x163: {  	_ =	swait.ge [sflag:s29], $0x4000  }
0x164: {  	[sflag:s29] =	ssyncset.done $0x0  }
0x165: {  	[sflag:s29] =	ssyncadd.s32 $0xFFFFC000  }
0x166: {  	_ =	swait.ge [sflag:s16], $0x4000  }
0x167: {  	[sflag:s16] =	ssyncset.done $0x0  }
0x168: {  	[sflag:s16] =	ssyncadd.s32 $0xFFFFC000  }
0x169: {  	[spmem:s2] =	stream.indirect.scatter.add.f32 [tilespmem:s5], [sflag:$0x3], $0x80, s10, s1, $0xb8;
	[tilespmem:$0x1F000] =	vst v63  }
0x16a: {  	_ =	swait.ge [sflag:s29], $0x4000  }
0x16b: {  	[sflag:s29] =	ssyncset.done $0x0  }
0x16c: {  	[sflag:s29] =	ssyncadd.s32 $0xFFFFC000  }
0x16d: {  	[tilespmem:s0], [sflag:$0x1] =	stream.indirect.gather [hbm4b:s4+s1], $0x80, s11, s1, $0xb8;
	[tilespmem:$0x1F000] =	vst v63  }
0x16e: {  	_ = 	snop  }
0x16f: {  	[tilespmem:s5], [sflag:$0x2] =	stream.indirect.gather [hbm4b:s4+s1], $0x80, s12, s1, $0xb8;
	[tilespmem:$0x1F000] =	vst v63  }
0x170: {  	_ =	swait.ge [sflag:s7], $0x4000  }
0x171: {  	[sflag:s7] =	ssyncset.done $0x0  }
0x172: {  	[sflag:s7] =	ssyncadd.s32 $0xFFFFC000  }
0x173: {  	[spmem:s2] =	stream.indirect.scatter.add.f32 [tilespmem:s0], [sflag:$0x3], $0x80, s13, s1, $0xb8;
	[tilespmem:$0x1F000] =	vst v63  }
0x174: {  	_ =	swait.ge [sflag:s29], $0x4000  }
0x175: {  	[sflag:s29] =	ssyncset.done $0x0  }
0x176: {  	[sflag:s29] =	ssyncadd.s32 $0xFFFFC000  }
0x177: {  	p0 =	sne.s32 s6, $0x400;
	_ =	swait.ge [sflag:s16], $0x4000  }
.Ltmp0:
0x178: {  	[sflag:s16] =	ssyncset.done $0x0;
	(pc) =	sbr.rel @p0 .LBB2_2-.Ltmp0, $4  }
0x179: {  	[sflag:s16] =	ssyncadd.s32 $0xFFFFC000  }
0x17a: {  	[spmem:s2] =	stream.indirect.scatter.add.f32 [tilespmem:s5], [sflag:$0x3], $0x80, s14, s1, $0xb8;
	[tilespmem:$0x1F000] =	vst v63  }
0x17b: {  	_ =	swait.ge [sflag:s29], $0x4000  }
0x17c: {  	s6 =	sadd.s32 $0x100, s6;
	s15 =	rddreg [dreg:$0x5];
	[sflag:s29] =	ssyncset.done $0x0  }
0x17d: {  	[sflag:s29] =	ssyncadd.s32 $0xFFFFC000;
	s6 =	sadd.s32 s26, s15  }
0x17e: {  	[tilespmem:s30], [sflag:$0x3] =	stream.linear.gather [hbm4b:s6+s3], $0x800, $0x38;
	[tilespmem:$0x1F000] =	vst v63  }
0x17f: {  	_ =	swait.ge [sflag:s29], $0x800  }
0x180: {  	s15 =	rddreg [dreg:$0x4];
	[sflag:s29] =	ssyncset.done $0x0  }
0x181: {  	[sflag:s29] =	ssyncadd.s32 $0xFFFFF800;
	s6 =	sadd.s32 s26, s15  }
0x182: {  	[tilespmem:s31], [sflag:$0x3] =	stream.linear.gather [hbm4b:s6+s3], $0x800, $0x38;
	[tilespmem:$0x1F000] =	vst v63  }
0x183: {  	_ =	swait.ge [sflag:s29], $0x800  }
0x184: {  	[sflag:s29] =	ssyncset.done $0x0  }
0x185: {  	[sflag:s29] =	ssyncadd.s32 $0xFFFFF800  }
0x186: {  	[tilespmem:s0], [sflag:$0x1] =	stream.indirect.gather [hbm4b:s4+s1], $0x80, s30, s1, $0xb8;
	[tilespmem:$0x1F000] =	vst v63  }
0x187: {  	s15 =	rddreg [dreg:$0x6]  }
0x188: {  	[tilespmem:s5], [sflag:$0x2] =	stream.indirect.gather [hbm4b:s4+s1], $0x80, s15, s1, $0xb8;
	[tilespmem:$0x1F000] =	vst v63  }
0x189: {  	_ =	swait.ge [sflag:s7], $0x4000  }
0x18a: {  	[sflag:s7] =	ssyncset.done $0x0  }
0x18b: {  	[sflag:s7] =	ssyncadd.s32 $0xFFFFC000  }
0x18c: {  	[spmem:s2] =	stream.indirect.scatter.add.f32 [tilespmem:s0], [sflag:$0x3], $0x80, s31, s1, $0xb8;
	[tilespmem:$0x1F000] =	vst v63  }
0x18d: {  	_ =	swait.ge [sflag:s29], $0x4000  }
0x18e: {  	[sflag:s29] =	ssyncset.done $0x0  }
0x18f: {  	[sflag:s29] =	ssyncadd.s32 $0xFFFFC000  }
0x190: {  	_ =	swait.ge [sflag:s16], $0x4000  }
0x191: {  	[sflag:s16] =	ssyncset.done $0x0  }
0x192: {  	s26 =	rddreg [dreg:$0x7];
	[sflag:s16] =	ssyncadd.s32 $0xFFFFC000  }
0x193: {  	[spmem:s2] =	stream.indirect.scatter.add.f32 [tilespmem:s5], [sflag:$0x3], $0x80, s26, s1, $0xb8;
	[tilespmem:$0x1F000] =	vst v63  }
0x194: {  	_ =	swait.ge [sflag:s29], $0x4000  }
0x195: {  	[sflag:s29] =	ssyncset.done $0x0  }
0x196: {  	s15 =	rddreg [dreg:$0x8];
	[sflag:s29] =	ssyncadd.s32 $0xFFFFC000  }
0x197: {  	[tilespmem:s0], [sflag:$0x1] =	stream.indirect.gather [hbm4b:s4+s1], $0x80, s15, s1, $0xb8;
	[tilespmem:$0x1F000] =	vst v63  }
0x198: {  	s26 =	rddreg [dreg:$0x9]  }
0x199: {  	[tilespmem:s5], [sflag:$0x2] =	stream.indirect.gather [hbm4b:s4+s1], $0x80, s26, s1, $0xb8;
	[tilespmem:$0x1F000] =	vst v63  }
0x19a: {  	_ =	swait.ge [sflag:s7], $0x4000  }
0x19b: {  	[sflag:s7] =	ssyncset.done $0x0  }
0x19c: {  	s15 =	rddreg [dreg:$0xa];
	[sflag:s7] =	ssyncadd.s32 $0xFFFFC000  }
0x19d: {  	[spmem:s2] =	stream.indirect.scatter.add.f32 [tilespmem:s0], [sflag:$0x3], $0x80, s15, s1, $0xb8;
	[tilespmem:$0x1F000] =	vst v63  }
0x19e: {  	_ =	swait.ge [sflag:s29], $0x4000  }
0x19f: {  	[sflag:s29] =	ssyncset.done $0x0  }
0x1a0: {  	[sflag:s29] =	ssyncadd.s32 $0xFFFFC000  }
0x1a1: {  	_ =	swait.ge [sflag:s16], $0x4000  }
0x1a2: {  	[sflag:s16] =	ssyncset.done $0x0  }
0x1a3: {  	s26 =	rddreg [dreg:$0xb];
	[sflag:s16] =	ssyncadd.s32 $0xFFFFC000  }
0x1a4: {  	[spmem:s2] =	stream.indirect.scatter.add.f32 [tilespmem:s5], [sflag:$0x3], $0x80, s26, s1, $0xb8;
	[tilespmem:$0x1F000] =	vst v63  }
0x1a5: {  	_ =	swait.ge [sflag:s29], $0x4000  }
0x1a6: {  	[sflag:s29] =	ssyncset.done $0x0  }
0x1a7: {  	s15 =	rddreg [dreg:$0xc];
	[sflag:s29] =	ssyncadd.s32 $0xFFFFC000  }
0x1a8: {  	[tilespmem:s0], [sflag:$0x1] =	stream.indirect.gather [hbm4b:s4+s1], $0x80, s15, s1, $0xb8;
	[tilespmem:$0x1F000] =	vst v63  }
0x1a9: {  	s26 =	rddreg [dreg:$0xd]  }
0x1aa: {  	[tilespmem:s5], [sflag:$0x2] =	stream.indirect.gather [hbm4b:s4+s1], $0x80, s26, s1, $0xb8;
	[tilespmem:$0x1F000] =	vst v63  }
0x1ab: {  	_ =	swait.ge [sflag:s7], $0x4000  }
0x1ac: {  	[sflag:s7] =	ssyncset.done $0x0  }
0x1ad: {  	s15 =	rddreg [dreg:$0xe];
	[sflag:s7] =	ssyncadd.s32 $0xFFFFC000  }
0x1ae: {  	[spmem:s2] =	stream.indirect.scatter.add.f32 [tilespmem:s0], [sflag:$0x3], $0x80, s15, s1, $0xb8;
	[tilespmem:$0x1F000] =	vst v63  }
0x1af: {  	_ =	swait.ge [sflag:s29], $0x4000  }
0x1b0: {  	[sflag:s29] =	ssyncset.done $0x0  }
0x1b1: {  	[sflag:s29] =	ssyncadd.s32 $0xFFFFC000  }
0x1b2: {  	_ =	swait.ge [sflag:s16], $0x4000  }
0x1b3: {  	[sflag:s16] =	ssyncset.done $0x0  }
0x1b4: {  	s26 =	rddreg [dreg:$0xf];
	[sflag:s16] =	ssyncadd.s32 $0xFFFFC000  }
0x1b5: {  	[spmem:s2] =	stream.indirect.scatter.add.f32 [tilespmem:s5], [sflag:$0x3], $0x80, s26, s1, $0xb8;
	[tilespmem:$0x1F000] =	vst v63  }
0x1b6: {  	_ =	swait.ge [sflag:s29], $0x4000  }
0x1b7: {  	[sflag:s29] =	ssyncset.done $0x0  }
0x1b8: {  	s15 =	rddreg [dreg:$0x10];
	[sflag:s29] =	ssyncadd.s32 $0xFFFFC000  }
0x1b9: {  	[tilespmem:s0], [sflag:$0x1] =	stream.indirect.gather [hbm4b:s4+s1], $0x80, s15, s1, $0xb8;
	[tilespmem:$0x1F000] =	vst v63  }
0x1ba: {  	s26 =	rddreg [dreg:$0x11]  }
0x1bb: {  	[tilespmem:s5], [sflag:$0x2] =	stream.indirect.gather [hbm4b:s4+s1], $0x80, s26, s1, $0xb8;
	[tilespmem:$0x1F000] =	vst v63  }
0x1bc: {  	_ =	swait.ge [sflag:s7], $0x4000  }
0x1bd: {  	[sflag:s7] =	ssyncset.done $0x0  }
0x1be: {  	s26 =	rddreg [dreg:$0x12];
	[sflag:s7] =	ssyncadd.s32 $0xFFFFC000  }
0x1bf: {  	[spmem:s2] =	stream.indirect.scatter.add.f32 [tilespmem:s0], [sflag:$0x3], $0x80, s26, s1, $0xb8;
	[tilespmem:$0x1F000] =	vst v63  }
0x1c0: {  	_ =	swait.ge [sflag:s29], $0x4000  }
0x1c1: {  	[sflag:s29] =	ssyncset.done $0x0  }
0x1c2: {  	[sflag:s29] =	ssyncadd.s32 $0xFFFFC000  }
0x1c3: {  	_ =	swait.ge [sflag:s16], $0x4000  }
0x1c4: {  	[sflag:s16] =	ssyncset.done $0x0  }
0x1c5: {  	s15 =	rddreg [dreg:$0x13];
	[sflag:s16] =	ssyncadd.s32 $0xFFFFC000  }
0x1c6: {  	[spmem:s2] =	stream.indirect.scatter.add.f32 [tilespmem:s5], [sflag:$0x3], $0x80, s15, s1, $0xb8;
	[tilespmem:$0x1F000] =	vst v63  }
0x1c7: {  	_ =	swait.ge [sflag:s29], $0x4000  }
0x1c8: {  	[sflag:s29] =	ssyncset.done $0x0  }
0x1c9: {  	[sflag:s29] =	ssyncadd.s32 $0xFFFFC000  }
0x1ca: {  	[tilespmem:s0], [sflag:$0x1] =	stream.indirect.gather [hbm4b:s4+s1], $0x80, s17, s1, $0xb8;
	[tilespmem:$0x1F000] =	vst v63  }
0x1cb: {  	_ = 	snop  }
0x1cc: {  	[tilespmem:s5], [sflag:$0x2] =	stream.indirect.gather [hbm4b:s4+s1], $0x80, s18, s1, $0xb8;
	[tilespmem:$0x1F000] =	vst v63  }
0x1cd: {  	_ =	swait.ge [sflag:s7], $0x4000  }
0x1ce: {  	[sflag:s7] =	ssyncset.done $0x0  }
0x1cf: {  	[sflag:s7] =	ssyncadd.s32 $0xFFFFC000  }
0x1d0: {  	[spmem:s2] =	stream.indirect.scatter.add.f32 [tilespmem:s0], [sflag:$0x3], $0x80, s19, s1, $0xb8;
	[tilespmem:$0x1F000] =	vst v63  }
0x1d1: {  	_ =	swait.ge [sflag:s29], $0x4000  }
0x1d2: {  	[sflag:s29] =	ssyncset.done $0x0  }
0x1d3: {  	[sflag:s29] =	ssyncadd.s32 $0xFFFFC000  }
0x1d4: {  	_ =	swait.ge [sflag:s16], $0x4000  }
0x1d5: {  	[sflag:s16] =	ssyncset.done $0x0  }
0x1d6: {  	[sflag:s16] =	ssyncadd.s32 $0xFFFFC000  }
0x1d7: {  	[spmem:s2] =	stream.indirect.scatter.add.f32 [tilespmem:s5], [sflag:$0x3], $0x80, s20, s1, $0xb8;
	[tilespmem:$0x1F000] =	vst v63  }
0x1d8: {  	_ =	swait.ge [sflag:s29], $0x4000  }
0x1d9: {  	[sflag:s29] =	ssyncset.done $0x0  }
0x1da: {  	[sflag:s29] =	ssyncadd.s32 $0xFFFFC000  }
0x1db: {  	[tilespmem:s0], [sflag:$0x1] =	stream.indirect.gather [hbm4b:s4+s1], $0x80, s21, s1, $0xb8;
	[tilespmem:$0x1F000] =	vst v63  }
0x1dc: {  	_ = 	snop  }
0x1dd: {  	[tilespmem:s5], [sflag:$0x2] =	stream.indirect.gather [hbm4b:s4+s1], $0x80, s22, s1, $0xb8;
	[tilespmem:$0x1F000] =	vst v63  }
0x1de: {  	_ =	swait.ge [sflag:s7], $0x4000  }
0x1df: {  	[sflag:s7] =	ssyncset.done $0x0  }
0x1e0: {  	[sflag:s7] =	ssyncadd.s32 $0xFFFFC000  }
0x1e1: {  	[spmem:s2] =	stream.indirect.scatter.add.f32 [tilespmem:s0], [sflag:$0x3], $0x80, s23, s1, $0xb8;
	[tilespmem:$0x1F000] =	vst v63  }
0x1e2: {  	_ =	swait.ge [sflag:s29], $0x4000  }
0x1e3: {  	[sflag:s29] =	ssyncset.done $0x0  }
0x1e4: {  	[sflag:s29] =	ssyncadd.s32 $0xFFFFC000  }
0x1e5: {  	_ =	swait.ge [sflag:s16], $0x4000  }
0x1e6: {  	[sflag:s16] =	ssyncset.done $0x0  }
0x1e7: {  	[sflag:s16] =	ssyncadd.s32 $0xFFFFC000  }
0x1e8: {  	[spmem:s2] =	stream.indirect.scatter.add.f32 [tilespmem:s5], [sflag:$0x3], $0x80, s24, s1, $0xb8;
	[tilespmem:$0x1F000] =	vst v63  }
0x1e9: {  	_ =	swait.ge [sflag:s29], $0x4000  }
0x1ea: {  	[sflag:s29] =	ssyncset.done $0x0  }
0x1eb: {  	[sflag:s29] =	ssyncadd.s32 $0xFFFFC000  }
0x1ec: {  	[tilespmem:s0], [sflag:$0x1] =	stream.indirect.gather [hbm4b:s4+s1], $0x80, s25, s1, $0xb8;
	[tilespmem:$0x1F000] =	vst v63  }
0x1ed: {  	_ = 	snop  }
0x1ee: {  	[tilespmem:s5], [sflag:$0x2] =	stream.indirect.gather [hbm4b:s4+s1], $0x80, s8, s1, $0xb8;
	[tilespmem:$0x1F000] =	vst v63  }
0x1ef: {  	_ =	swait.ge [sflag:s7], $0x4000  }
0x1f0: {  	[sflag:s7] =	ssyncset.done $0x0  }
0x1f1: {  	[sflag:s7] =	ssyncadd.s32 $0xFFFFC000  }
0x1f2: {  	[spmem:s2] =	stream.indirect.scatter.add.f32 [tilespmem:s0], [sflag:$0x3], $0x80, s9, s1, $0xb8;
	[tilespmem:$0x1F000] =	vst v63  }
0x1f3: {  	_ =	swait.ge [sflag:s29], $0x4000  }
0x1f4: {  	[sflag:s29] =	ssyncset.done $0x0  }
0x1f5: {  	[sflag:s29] =	ssyncadd.s32 $0xFFFFC000  }
0x1f6: {  	_ =	swait.ge [sflag:s16], $0x4000  }
0x1f7: {  	[sflag:s16] =	ssyncset.done $0x0  }
0x1f8: {  	[sflag:s16] =	ssyncadd.s32 $0xFFFFC000  }
0x1f9: {  	[spmem:s2] =	stream.indirect.scatter.add.f32 [tilespmem:s5], [sflag:$0x3], $0x80, s10, s1, $0xb8;
	[tilespmem:$0x1F000] =	vst v63  }
0x1fa: {  	_ =	swait.ge [sflag:s29], $0x4000  }
0x1fb: {  	[sflag:s29] =	ssyncset.done $0x0  }
0x1fc: {  	[sflag:s29] =	ssyncadd.s32 $0xFFFFC000  }
0x1fd: {  	[tilespmem:s0], [sflag:$0x1] =	stream.indirect.gather [hbm4b:s4+s1], $0x80, s11, s1, $0xb8;
	[tilespmem:$0x1F000] =	vst v63  }
0x1fe: {  	_ = 	snop  }
0x1ff: {  	[tilespmem:s5], [sflag:$0x2] =	stream.indirect.gather [hbm4b:s4+s1], $0x80, s12, s1, $0xb8;
	[tilespmem:$0x1F000] =	vst v63  }
0x200: {  	_ =	swait.ge [sflag:s7], $0x4000  }
0x201: {  	[sflag:s7] =	ssyncset.done $0x0  }
0x202: {  	[sflag:s7] =	ssyncadd.s32 $0xFFFFC000  }
0x203: {  	[spmem:s2] =	stream.indirect.scatter.add.f32 [tilespmem:s0], [sflag:$0x3], $0x80, s13, s1, $0xb8;
	[tilespmem:$0x1F000] =	vst v63  }
0x204: {  	_ =	swait.ge [sflag:s29], $0x4000  }
0x205: {  	[sflag:s29] =	ssyncset.done $0x0  }
0x206: {  	[sflag:s29] =	ssyncadd.s32 $0xFFFFC000  }
0x207: {  	_ =	swait.ge [sflag:s16], $0x4000  }
0x208: {  	[sflag:s16] =	ssyncset.done $0x0  }
0x209: {  	[sflag:s16] =	ssyncadd.s32 $0xFFFFC000  }
0x20a: {  	[spmem:s2] =	stream.indirect.scatter.add.f32 [tilespmem:s5], [sflag:$0x3], $0x80, s14, s1, $0xb8;
	[tilespmem:$0x1F000] =	vst v63  }
0x20b: {  	_ =	swait.ge [sflag:s29], $0x4000  }
0x20c: {  	[sflag:s29] =	ssyncset.done $0x0  }
0x20d: {  	[sflag:s29] =	ssyncadd.s32 $0xFFFFC000  }
0x20e: {  	[bflag:$0x0] =	sbarrier.arrive $0xFFFF  }
0x20f: {  	s15 =	simm.s32 $0x15000;
	s26 =	rddreg [dreg:$0x15]  }
0x210: {  	[tilespmem:s15], [sflag:$0x3] =	stream.linear.gather [spmem:s26], $0x2000, $0x38;
	[tilespmem:$0x1F000] =	vst v63  }
0x211: {  	_ =	swait.ge [sflag:s29], $0x2000  }
0x212: {  	[sflag:s29] =	ssyncset.done $0x0  }
0x213: {  	s26 =	rddreg [dreg:$0x1f];
	[sflag:s29] =	ssyncadd.s32 $0xFFFFE000  }
0x214: {  	[hbm4b:s26+s3] =	stream.linear.scatter [tilespmem:s15], [sflag:$0x3], $0x2000, $0x38;
	[tilespmem:$0x1F000] =	vst v63  }
0x215: {  	_ =	swait.ge [sflag:s29], $0x2000  }
0x216: {  	[sflag:s29] =	ssyncset.done $0x0  }
0x217: {  	s26 =	rddreg [dreg:$0x17];
	[sflag:s29] =	ssyncadd.s32 $0xFFFFE000  }
0x218: {  	[tilespmem:s15], [sflag:$0x3] =	stream.linear.gather [spmem:s26], $0x2000, $0x38;
	[tilespmem:$0x1F000] =	vst v63  }
0x219: {  	_ =	swait.ge [sflag:s29], $0x2000  }
0x21a: {  	s26 =	sld [smem:$0x7F3]  }
0x21b: {  	[sflag:s29] =	ssyncset.done $0x0  }
0x21c: {  	[sflag:s29] =	ssyncadd.s32 $0xFFFFE000  }
0x21d: {  	[hbm4b:s26+s3] =	stream.linear.scatter [tilespmem:s15], [sflag:$0x3], $0x2000, $0x38;
	[tilespmem:$0x1F000] =	vst v63  }
0x21e: {  	_ =	swait.ge [sflag:s29], $0x2000  }
0x21f: {  	[sflag:s29] =	ssyncset.done $0x0  }
0x220: {  	s26 =	rddreg [dreg:$0x18];
	[sflag:s29] =	ssyncadd.s32 $0xFFFFE000  }
0x221: {  	[tilespmem:s15], [sflag:$0x3] =	stream.linear.gather [spmem:s26], $0x2000, $0x38;
	[tilespmem:$0x1F000] =	vst v63  }
0x222: {  	_ =	swait.ge [sflag:s29], $0x2000  }
0x223: {  	s26 =	sld [smem:$0x7F4]  }
0x224: {  	[sflag:s29] =	ssyncset.done $0x0  }
0x225: {  	[sflag:s29] =	ssyncadd.s32 $0xFFFFE000  }
0x226: {  	[hbm4b:s26+s3] =	stream.linear.scatter [tilespmem:s15], [sflag:$0x3], $0x2000, $0x38;
	[tilespmem:$0x1F000] =	vst v63  }
0x227: {  	_ =	swait.ge [sflag:s29], $0x2000  }
0x228: {  	[sflag:s29] =	ssyncset.done $0x0  }
0x229: {  	s26 =	rddreg [dreg:$0x19];
	[sflag:s29] =	ssyncadd.s32 $0xFFFFE000  }
0x22a: {  	[tilespmem:s15], [sflag:$0x3] =	stream.linear.gather [spmem:s26], $0x2000, $0x38;
	[tilespmem:$0x1F000] =	vst v63  }
0x22b: {  	_ =	swait.ge [sflag:s29], $0x2000  }
0x22c: {  	s26 =	sld [smem:$0x7F5]  }
0x22d: {  	[sflag:s29] =	ssyncset.done $0x0  }
0x22e: {  	[sflag:s29] =	ssyncadd.s32 $0xFFFFE000  }
0x22f: {  	[hbm4b:s26+s3] =	stream.linear.scatter [tilespmem:s15], [sflag:$0x3], $0x2000, $0x38;
	[tilespmem:$0x1F000] =	vst v63  }
0x230: {  	_ =	swait.ge [sflag:s29], $0x2000  }
0x231: {  	[sflag:s29] =	ssyncset.done $0x0  }
0x232: {  	s26 =	rddreg [dreg:$0x1a];
	[sflag:s29] =	ssyncadd.s32 $0xFFFFE000  }
0x233: {  	[tilespmem:s15], [sflag:$0x3] =	stream.linear.gather [spmem:s26], $0x2000, $0x38;
	[tilespmem:$0x1F000] =	vst v63  }
0x234: {  	_ =	swait.ge [sflag:s29], $0x2000  }
0x235: {  	s26 =	sld [smem:$0x7F6]  }
0x236: {  	[sflag:s29] =	ssyncset.done $0x0  }
0x237: {  	[sflag:s29] =	ssyncadd.s32 $0xFFFFE000  }
0x238: {  	[hbm4b:s26+s3] =	stream.linear.scatter [tilespmem:s15], [sflag:$0x3], $0x2000, $0x38;
	[tilespmem:$0x1F000] =	vst v63  }
0x239: {  	_ =	swait.ge [sflag:s29], $0x2000  }
0x23a: {  	[sflag:s29] =	ssyncset.done $0x0  }
0x23b: {  	s26 =	rddreg [dreg:$0x1b];
	[sflag:s29] =	ssyncadd.s32 $0xFFFFE000  }
0x23c: {  	[tilespmem:s15], [sflag:$0x3] =	stream.linear.gather [spmem:s26], $0x2000, $0x38;
	[tilespmem:$0x1F000] =	vst v63  }
0x23d: {  	_ =	swait.ge [sflag:s29], $0x2000  }
0x23e: {  	s26 =	sld [smem:$0x7F7]  }
0x23f: {  	[sflag:s29] =	ssyncset.done $0x0  }
0x240: {  	[sflag:s29] =	ssyncadd.s32 $0xFFFFE000  }
0x241: {  	[hbm4b:s26+s3] =	stream.linear.scatter [tilespmem:s15], [sflag:$0x3], $0x2000, $0x38;
	[tilespmem:$0x1F000] =	vst v63  }
0x242: {  	_ =	swait.ge [sflag:s29], $0x2000  }
0x243: {  	[sflag:s29] =	ssyncset.done $0x0  }
0x244: {  	s26 =	rddreg [dreg:$0x1c];
	[sflag:s29] =	ssyncadd.s32 $0xFFFFE000  }
0x245: {  	[tilespmem:s15], [sflag:$0x3] =	stream.linear.gather [spmem:s26], $0x2000, $0x38;
	[tilespmem:$0x1F000] =	vst v63  }
0x246: {  	_ =	swait.ge [sflag:s29], $0x2000  }
0x247: {  	s26 =	sld [smem:$0x7F8]  }
0x248: {  	[sflag:s29] =	ssyncset.done $0x0  }
0x249: {  	[sflag:s29] =	ssyncadd.s32 $0xFFFFE000  }
0x24a: {  	[hbm4b:s26+s3] =	stream.linear.scatter [tilespmem:s15], [sflag:$0x3], $0x2000, $0x38;
	[tilespmem:$0x1F000] =	vst v63  }
0x24b: {  	_ =	swait.ge [sflag:s29], $0x2000  }
0x24c: {  	[sflag:s29] =	ssyncset.done $0x0  }
0x24d: {  	s26 =	rddreg [dreg:$0x1d];
	[sflag:s29] =	ssyncadd.s32 $0xFFFFE000  }
0x24e: {  	[tilespmem:s15], [sflag:$0x3] =	stream.linear.gather [spmem:s26], $0x2000, $0x38;
	[tilespmem:$0x1F000] =	vst v63  }
0x24f: {  	_ =	swait.ge [sflag:s29], $0x2000  }
0x250: {  	s26 =	sld [smem:$0x7F9]  }
0x251: {  	[sflag:s29] =	ssyncset.done $0x0  }
0x252: {  	[sflag:s29] =	ssyncadd.s32 $0xFFFFE000  }
0x253: {  	[hbm4b:s26+s3] =	stream.linear.scatter [tilespmem:s15], [sflag:$0x3], $0x2000, $0x38;
	[tilespmem:$0x1F000] =	vst v63  }
0x254: {  	_ =	swait.ge [sflag:s29], $0x2000  }
0x255: {  	[sflag:s29] =	ssyncset.done $0x0  }
0x256: {  	s26 =	rddreg [dreg:$0x1e];
	[sflag:s29] =	ssyncadd.s32 $0xFFFFE000  }
0x257: {  	[tilespmem:s15], [sflag:$0x3] =	stream.linear.gather [spmem:s26], $0x2000, $0x38;
	[tilespmem:$0x1F000] =	vst v63  }
0x258: {  	_ =	swait.ge [sflag:s29], $0x2000  }
0x259: {  	s26 =	sld [smem:$0x7FA]  }
0x25a: {  	[sflag:s29] =	ssyncset.done $0x0  }
0x25b: {  	[sflag:s29] =	ssyncadd.s32 $0xFFFFE000  }
0x25c: {  	[hbm4b:s26+s3] =	stream.linear.scatter [tilespmem:s15], [sflag:$0x3], $0x2000, $0x38;
	[tilespmem:$0x1F000] =	vst v63  }
0x25d: {  	_ =	swait.ge [sflag:s29], $0x2000  }
0x25e: {  	s26 =	sld [smem:$0x7FD]  }
0x25f: {  	[sflag:s29] =	ssyncset.done $0x0  }
0x260: {  	[sflag:s29] =	ssyncadd.s32 $0xFFFFE000  }
0x261: {  	[tilespmem:s15], [sflag:$0x3] =	stream.linear.gather [spmem:s26], $0x2000, $0x38;
	[tilespmem:$0x1F000] =	vst v63  }
0x262: {  	_ =	swait.ge [sflag:s29], $0x2000  }
0x263: {  	s6 =	sld [smem:$0x7FB]  }
0x264: {  	[sflag:s29] =	ssyncset.done $0x0  }
0x265: {  	[sflag:s29] =	ssyncadd.s32 $0xFFFFE000  }
0x266: {  	[hbm4b:s6+s3] =	stream.linear.scatter [tilespmem:s15], [sflag:$0x3], $0x2000, $0x38;
	[tilespmem:$0x1F000] =	vst v63  }
0x267: {  	_ =	swait.ge [sflag:s29], $0x2000  }
0x268: {  	s28 =	sld [smem:$0x7FC];
	_ =	sdelay $0x2  }
0x269: {  	s6 =	rddreg [dreg:$0x16];
	s28 =	sadd.s32 $0x1, s28  }
0x26a: {  	p0 =	sne.s32 s28, s6  }
.Ltmp1:
0x26b: {  	_ = 	snop;
	(pc) =	sbr.rel @p0 .LBB2_1-.Ltmp1, $3  }
0x26c: {  	_ =	sdelay $0x1  }
0x26d: {  	[sflag:s29] =	ssyncset.done $0x0;
	[smem:$0x7FC] =	sst s28  }
0x26e: {  	[sflag:s29] =	ssyncadd.s32 $0xFFFFE000;
	s28 =	rddreg [dreg:$0x15]  }
0x26f: {  	_ =	sfence.sel $0x180000  }
0x270: {  	[bflag:$0x0] =	sbarrier.arrive $0xFFFF  }
0x271: {  	_ =	strace $0x9000004A  }
0x272: {  	s0 =	stileid.u32;
	[bflag:$0x2] =	sbarrier.arrive $0xFFFF  }
0x273: {  	p0 =	sne.s32 s0, $0x0;
	s0 =	rddreg [dreg:$0x3]  }
0x274: {  	s0 =	sadd.s32 @!p0 $0x100000, s0  }
0x275: {  	[sflag:s0] =	ssyncadd.tile.s32 @!p0 $0x1;
	_ =	shalt  }
.Lfunc_end2:
_tile_overlayer_lowered:
.L_overlay_start_2:
0x276: {  	(tag) =	ssettag $0x2  }
0x277: {  	s0 =	rddreg [dreg:$0x0];
	s2 =	stileid.u32  }
0x278: {  	s1 =	rddreg [dreg:$0x1];
	p0 =	sne.s32 s2, $0x0  }
0x279: {  	s3 =	rddreg [dreg:$0x2];
	[bflag:$0x3] =	sbarrier.arrive $0xFFFF;
	s2 =	simm.s32 @!p0 $0x1C01  }
0x27a: {  	[timem:s3], [sflag:s2] =	dma.local @!p0 [hbm:s0], s1  }
0x27b: {  	s0 =	simm.s32 @!p0 $0x1  }
0x27c: {  	_ =	swait.ge @!p0 [sflag:s0], s1  }
0x27d: {  	s1 =	ssub.s32 @!p0 $0x0, s1;
	[sflag:s0] =	ssyncset.done @!p0 $0x0  }
0x27e: {  	[sflag:s0] =	ssyncadd.s32 @!p0 s1  }
0x27f: {  	[bflag:$0x3] =	sbarrier.arrive $0xFFFF  }
0x280: {  	_ =	shalt  }

</sc_bundles>
